<compile_context>
chip_gen: v7x
topology: tpu7x:2x2x1
jax: 0.10.2.dev20260603
libtpu: 0.0.44.dev20260713+nightly
codegen_flags: <defaults>
</compile_context>

<pallas_src>
import functools

import jax
import jax.numpy as jnp
import numpy as np
from jax import lax
from jax.experimental import pallas as pl
from jax.experimental.pallas import tpu as pltpu
from jax.experimental.pallas import tpu_sc as plsc

_N = 16384
_LANES = 16
_M32 = 0xFFFFFFFF
_ROTS = ([13, 15, 26, 6], [17, 29, 16, 24])
_PARITY = 0x1BD11BDA


def _tf_host(k0, k1, x0, x1):
    ks2 = k0 ^ k1 ^ _PARITY
    inj = [(k1, (ks2 + 1) & _M32), (ks2, (k0 + 2) & _M32),
           (k0, (k1 + 3) & _M32), (k1, (ks2 + 4) & _M32),
           (ks2, (k0 + 5) & _M32)]
    a = (x0 + k0) & _M32
    b = (x1 + k1) & _M32
    for blk in range(5):
        for r in _ROTS[blk % 2]:
            a = (a + b) & _M32
            b = (((b << r) & _M32) | (b >> (32 - r))) ^ a
        pa, pb = inj[blk]
        a = (a + pa) & _M32
        b = (b + pb) & _M32
    return a, b


def _split_host(k0, k1):
    a0, b0 = _tf_host(k0, k1, 0, 0)
    a1, b1 = _tf_host(k0, k1, 0, 1)
    return (a0, b0), (a1, b1)


_KU, _KR = _split_host(0, 42)
_K1R, _K2R = _split_host(*_KR)
_KEYS = (_KU, _K1R, _K2R)


def _inj_consts(k0, k1):
    ks2 = k0 ^ k1 ^ _PARITY
    return [(k1, (ks2 + 1) & _M32), (ks2, (k0 + 2) & _M32),
            (k0, (k1 + 3) & _M32), (k1, (ks2 + 4) & _M32),
            (ks2, (k0 + 5) & _M32)]


_INJ = tuple(_inj_consts(k0, k1) for (k0, k1) in _KEYS)


def _tf3_bits(xlo):
    a = [jnp.full((_LANES,), np.uint32(k0), jnp.uint32) for (k0, _) in _KEYS]
    b = [xlo + np.uint32(k1) for (_, k1) in _KEYS]
    for blk in range(5):
        for r in _ROTS[blk % 2]:
            for t in range(3):
                a[t] = a[t] + b[t]
            for t in range(3):
                b[t] = ((b[t] << r) | (b[t] >> (32 - r))) ^ a[t]
        for t in range(3):
            pa, pb = _INJ[t][blk]
            a[t] = a[t] + np.uint32(pa)
            b[t] = b[t] + np.uint32(pb)
    return [a[t] ^ b[t] for t in range(3)]


_NC, _NS = 2, 16
_NW = _NC * _NS
_PER = _N // _NW
_CHUNKS = _PER // _LANES


def _rr_body(arr_hbm, ps_hbm, out_hbm, arr_v, ps_v, out_v, sem_in, sem_ps):
    wid = lax.axis_index("s") * _NC + lax.axis_index("c")
    base = wid * _PER
    cp_arr = pltpu.async_copy(arr_hbm.at[pl.ds(base, _PER)], arr_v, sem_in)
    cp_ps = pltpu.async_copy(ps_hbm, ps_v.at[pl.ds(0, 10)], sem_ps)
    cp_arr.wait()
    cp_ps.wait()
    ps_vec = ps_v[...]

    def one_chunk(off):
        a_f = arr_v[pl.ds(off, _LANES)]
        idx = a_f.astype(jnp.int32)
        gidx = (lax.iota(jnp.int32, _LANES) + (base + off)).astype(jnp.uint32)
        bits_u, bits_h, bits_l = _tf3_bits(gidx)
        fbits = (bits_u >> np.uint32(9)) | np.uint32(0x3F800000)
        u = lax.bitcast_convert_type(fbits, jnp.float32) - jnp.float32(1.0)
        nine = np.uint32(9)
        ro = ((bits_h % nine) * np.uint32(4) + (bits_l % nine)) % nine
        r_i = ro.astype(jnp.int32)
        resp = jnp.where(r_i >= idx, r_i + jnp.int32(1), r_i)
        p_elem = jnp.take_along_axis(ps_vec, idx, axis=0)
        keep = u > p_elem
        out_v[pl.ds(off, _LANES)] = jnp.where(keep, a_f,
                                              resp.astype(jnp.float32))

    def body(j, carry):
        one_chunk(j * _LANES)
        return carry

    lax.fori_loop(0, _CHUNKS, body, 0)
    pltpu.sync_copy(out_v, out_hbm.at[pl.ds(base, _PER)])


@functools.cache
def _build():
    mesh = plsc.VectorSubcoreMesh(core_axis_name="c", subcore_axis_name="s",
                                  num_cores=_NC, num_subcores=_NS)
    return pl.kernel(
        _rr_body,
        out_type=jax.ShapeDtypeStruct((_N,), jnp.float32),
        mesh=mesh,
        scratch_types=[
            pltpu.VMEM((_PER,), jnp.float32),
            pltpu.VMEM((_LANES,), jnp.float32),
            pltpu.VMEM((_PER,), jnp.float32),
            pltpu.SemaphoreType.DMA,
            pltpu.SemaphoreType.DMA,
        ],
    )


def kernel(arr, ps):
    return _build()(arr, ps)

# --- scband reference (transcript-rebuilt; emitter-appended) ---
"""Pipeline reference for scband-random-response-35235911696805 (READ-ONLY COPY).

The authoritative reference and input builder live on the scoring server;
editing this copy changes nothing except your own understanding.
"""

import jax, jax.numpy as jnp
import numpy as np

NUM_CLASSES = 10
BATCH = 16384


def setup_inputs(seed: int = 0) -> dict:
    key = jax.random.key(seed)
    k1, _ = jax.random.split(key)
    # labels in [0, NUM_CLASSES); stored as float to match torch zeros_like semantics
    arr = jax.random.randint(k1, (BATCH,), 0, NUM_CLASSES).astype(jnp.float32)
    ps = jnp.array([0.3] * NUM_CLASSES, dtype=jnp.float32)
    return {"arr": arr, "ps": ps}


def reference(arr, ps):
    # Faithful vectorized randomized-response:
    # for each element e: draw u ~ U(0,1); if u > ps[int(e)] keep e,
    # else replace with a uniformly random class != int(e).
    k = NUM_CLASSES
    key = jax.random.key(42)
    ku, kr = jax.random.split(key)
    idx = arr.astype(jnp.int32)  # gather index per element
    u = jax.random.uniform(ku, arr.shape, dtype=jnp.float32)
    p_elem = jnp.take(ps, idx, axis=0)  # gather ps[idx]
    keep = u > p_elem
    # sample uniformly from the k-1 classes that are not idx:
    # draw r in [0, k-1), then shift by 1 if r >= idx to skip idx
    r = jax.random.randint(kr, arr.shape, 0, k - 1)
    resp = r + (r >= idx).astype(r.dtype)
    out = jnp.where(keep, arr, resp.astype(arr.dtype))
    return out


if False:  # reference __main__ guard neutralized (emitter)
    inp = setup_inputs()
    o = reference(**inp)
    print(o.shape, o.dtype)

if __name__ == "__main__":
    import jax
    _d = setup_inputs()
    print(jax.jit(kernel)(*tuple(_d.values())))

</pallas_src>

<mosaic_0001>
#map = affine_map<(d0, d1) -> (0)>
module attributes {stable_mosaic.version = 14 : i64} {
  func.func @_rr_body(%arg0: i32, %arg1: i32, %arg2: memref<16384xf32, #tpu.memory_space<hbm>>, %arg3: memref<10xf32, #tpu.memory_space<hbm>>, %arg4: memref<16384xf32, #tpu.memory_space<hbm>>, %arg5: memref<512xf32, #tpu.memory_space<vmem>>, %arg6: memref<16xf32, #tpu.memory_space<vmem>>, %arg7: memref<512xf32, #tpu.memory_space<vmem>>, %arg8: memref<!tpu.dma_semaphore, #tpu.memory_space<semaphore_mem>>, %arg9: memref<!tpu.dma_semaphore, #tpu.memory_space<semaphore_mem>>) attributes {dimension_semantics = [#tpu.dimension_semantics<core_parallel>, #tpu.dimension_semantics<subcore_parallel>], iteration_bounds = array<i64: 2, 16>, scalar_prefetch = 0 : i64, scratch_operands = 5 : i64, tpu.core_type = #tpu.core_type<sc_vector_subcore>, window_params = [{transform_indices = #map}, {transform_indices = #map}, {transform_indices = #map}]} {
    %mul3A = arith.constant 2 : i32
    %mul3A_0 = arith.muli %arg1, %mul3A : i32
    %add3A = arith.addi %mul3A_0, %arg0 : i32
    %mul3A_1 = arith.constant 512 : i32
    %mul3A_2 = arith.muli %add3A, %mul3A_1 : i32
    %dma_start3A = tpu.memref_slice %arg2[%mul3A_2] : memref<16384xf32, #tpu.memory_space<hbm>> -> memref<512xf32, #tpu.memory_space<hbm>>
    %dma_start3A_3 = tpu.memref_slice %arg2[%mul3A_2] : memref<16384xf32, #tpu.memory_space<hbm>> -> memref<512xf32, #tpu.memory_space<hbm>>
    tpu.enqueue_dma source(%dma_start3A_3 : memref<512xf32, #tpu.memory_space<hbm>>) target(%arg5 : memref<512xf32, #tpu.memory_space<vmem>>) target_semaphore(%arg8 : memref<!tpu.dma_semaphore, #tpu.memory_space<semaphore_mem>>)
    %dma_start3A_4 = arith.constant 0 : i32
    %dma_start3A_5 = tpu.memref_slice %arg6[%dma_start3A_4] : memref<16xf32, #tpu.memory_space<vmem>> -> memref<10xf32, #tpu.memory_space<vmem>>
    %dma_start3A_6 = arith.constant 0 : i32
    %dma_start3A_7 = tpu.memref_slice %arg6[%dma_start3A_6] : memref<16xf32, #tpu.memory_space<vmem>> -> memref<10xf32, #tpu.memory_space<vmem>>
    tpu.enqueue_dma source(%arg3 : memref<10xf32, #tpu.memory_space<hbm>>) target(%dma_start3A_7 : memref<10xf32, #tpu.memory_space<vmem>>) target_semaphore(%arg9 : memref<!tpu.dma_semaphore, #tpu.memory_space<semaphore_mem>>)
    %dma_wait3A = tpu.memref_slice %arg2[%mul3A_2] : memref<16384xf32, #tpu.memory_space<hbm>> -> memref<512xf32, #tpu.memory_space<hbm>>
    %dma_wait3A_8 = tpu.memref_slice %arg2[%mul3A_2] : memref<16384xf32, #tpu.memory_space<hbm>> -> memref<512xf32, #tpu.memory_space<hbm>>
    tpu.wait_dma2 semaphore(%arg8 : memref<!tpu.dma_semaphore, #tpu.memory_space<semaphore_mem>>) src(%dma_wait3A_8 : memref<512xf32, #tpu.memory_space<hbm>>) dst(%arg5 : memref<512xf32, #tpu.memory_space<vmem>>)
    %dma_wait3A_9 = arith.constant 0 : i32
    %dma_wait3A_10 = tpu.memref_slice %arg6[%dma_wait3A_9] : memref<16xf32, #tpu.memory_space<vmem>> -> memref<10xf32, #tpu.memory_space<vmem>>
    %dma_wait3A_11 = arith.constant 0 : i32
    %dma_wait3A_12 = tpu.memref_slice %arg6[%dma_wait3A_11] : memref<16xf32, #tpu.memory_space<vmem>> -> memref<10xf32, #tpu.memory_space<vmem>>
    tpu.wait_dma2 semaphore(%arg9 : memref<!tpu.dma_semaphore, #tpu.memory_space<semaphore_mem>>) src(%arg3 : memref<10xf32, #tpu.memory_space<hbm>>) dst(%dma_wait3A_12 : memref<10xf32, #tpu.memory_space<vmem>>)
    %get3A = arith.constant 0 : index
    %get3A_13 = tpu.vector_load %arg6[%get3A] {strides = array<i32>} : memref<16xf32, #tpu.memory_space<vmem>>, vector<16xf32>,
    %get3A_14 = vector.shape_cast %get3A_13 : vector<16xf32> to vector<16xf32>
    %scan3A = arith.constant 0 : i32
    %scan3A_15 = arith.constant 0 : i32
    %scan3A_16 = arith.constant 32 : i32
    %scan3A_17 = arith.addi %scan3A_15, %scan3A_16 : i32
    %scan3A_18 = arith.constant 1 : i32
    scf.for %scan3A_20 = %scan3A_15 to %scan3A_17 step %scan3A_18  : i32 {
      %mul3A_21 = arith.constant 16 : i32
      %mul3A_22 = arith.muli %scan3A_20, %mul3A_21 : i32
      %get3A_23 = arith.index_cast %mul3A_22 : i32 to index
      %get3A_24 = tpu.vector_load %arg5[%get3A_23] {strides = array<i32>} : memref<512xf32, #tpu.memory_space<vmem>>, vector<16xf32>,
      %get3A_25 = vector.shape_cast %get3A_24 : vector<16xf32> to vector<16xf32>
      %convert_element_type3A = arith.fptosi %get3A_25 : vector<16xf32> to vector<16xi32>
      %iota3A = tpu.iota {dimensions = array<i32: 0>} : vector<16xi32>
      %add3A_26 = arith.addi %mul3A_2, %mul3A_22 : i32
      %add3A_27 = vector.broadcast %add3A_26 : i32 to vector<16xi32>
      %add3A_28 = arith.addi %iota3A, %add3A_27 : vector<16xi32>
      %broadcast_in_dim3A = arith.constant 1832780943 : i32
      %broadcast_in_dim3A_29 = vector.broadcast %broadcast_in_dim3A : i32 to vector<16xi32>
      %broadcast_in_dim3A_30 = arith.constant -1107590415 : i32
      %broadcast_in_dim3A_31 = vector.broadcast %broadcast_in_dim3A_30 : i32 to vector<16xi32>
      %broadcast_in_dim3A_32 = arith.constant -1944951124 : i32
      %broadcast_in_dim3A_33 = vector.broadcast %broadcast_in_dim3A_32 : i32 to vector<16xi32>
      %add3A_34 = arith.constant 270669613 : i32
      %add3A_35 = vector.broadcast %add3A_34 : i32 to vector<16xi32>
      %add3A_36 = arith.addi %add3A_28, %add3A_35 : vector<16xi32>
      %add3A_37 = arith.constant 129218101 : i32
      %add3A_38 = vector.broadcast %add3A_37 : i32 to vector<16xi32>
      %add3A_39 = arith.addi %add3A_28, %add3A_38 : vector<16xi32>
      %add3A_40 = arith.constant 1168365246 : i32
      %add3A_41 = vector.broadcast %add3A_40 : i32 to vector<16xi32>
      %add3A_42 = arith.addi %add3A_28, %add3A_41 : vector<16xi32>
      %add3A_43 = arith.addi %broadcast_in_dim3A_29, %add3A_36 : vector<16xi32>
      %add3A_44 = arith.addi %broadcast_in_dim3A_31, %add3A_39 : vector<16xi32>
      %add3A_45 = arith.addi %broadcast_in_dim3A_33, %add3A_42 : vector<16xi32>
      %shift_left3A = arith.constant 13 : i32
      %shift_left3A_46 = vector.broadcast %shift_left3A : i32 to vector<16xi32>
      %shift_left3A_47 = arith.shli %add3A_36, %shift_left3A_46 : vector<16xi32>
      %shift_right_logical3A = arith.constant 19 : i32
      %shift_right_logical3A_48 = vector.broadcast %shift_right_logical3A : i32 to vector<16xi32>
      %shift_right_logical3A_49 = arith.shrui %add3A_36, %shift_right_logical3A_48 : vector<16xi32>
      %or3A = arith.ori %shift_left3A_47, %shift_right_logical3A_49 : vector<16xi32>
      %xor3A = arith.xori %or3A, %add3A_43 : vector<16xi32>
      %shift_left3A_50 = arith.constant 13 : i32
      %shift_left3A_51 = vector.broadcast %shift_left3A_50 : i32 to vector<16xi32>
      %shift_left3A_52 = arith.shli %add3A_39, %shift_left3A_51 : vector<16xi32>
      %shift_right_logical3A_53 = arith.constant 19 : i32
      %shift_right_logical3A_54 = vector.broadcast %shift_right_logical3A_53 : i32 to vector<16xi32>
      %shift_right_logical3A_55 = arith.shrui %add3A_39, %shift_right_logical3A_54 : vector<16xi32>
      %or3A_56 = arith.ori %shift_left3A_52, %shift_right_logical3A_55 : vector<16xi32>
      %xor3A_57 = arith.xori %or3A_56, %add3A_44 : vector<16xi32>
      %shift_left3A_58 = arith.constant 13 : i32
      %shift_left3A_59 = vector.broadcast %shift_left3A_58 : i32 to vector<16xi32>
      %shift_left3A_60 = arith.shli %add3A_42, %shift_left3A_59 : vector<16xi32>
      %shift_right_logical3A_61 = arith.constant 19 : i32
      %shift_right_logical3A_62 = vector.broadcast %shift_right_logical3A_61 : i32 to vector<16xi32>
      %shift_right_logical3A_63 = arith.shrui %add3A_42, %shift_right_logical3A_62 : vector<16xi32>
      %or3A_64 = arith.ori %shift_left3A_60, %shift_right_logical3A_63 : vector<16xi32>
      %xor3A_65 = arith.xori %or3A_64, %add3A_45 : vector<16xi32>
      %add3A_66 = arith.addi %add3A_43, %xor3A : vector<16xi32>
      %add3A_67 = arith.addi %add3A_44, %xor3A_57 : vector<16xi32>
      %add3A_68 = arith.addi %add3A_45, %xor3A_65 : vector<16xi32>
      %shift_left3A_69 = arith.constant 15 : i32
      %shift_left3A_70 = vector.broadcast %shift_left3A_69 : i32 to vector<16xi32>
      %shift_left3A_71 = arith.shli %xor3A, %shift_left3A_70 : vector<16xi32>
      %shift_right_logical3A_72 = arith.constant 17 : i32
      %shift_right_logical3A_73 = vector.broadcast %shift_right_logical3A_72 : i32 to vector<16xi32>
      %shift_right_logical3A_74 = arith.shrui %xor3A, %shift_right_logical3A_73 : vector<16xi32>
      %or3A_75 = arith.ori %shift_left3A_71, %shift_right_logical3A_74 : vector<16xi32>
      %xor3A_76 = arith.xori %or3A_75, %add3A_66 : vector<16xi32>
      %shift_left3A_77 = arith.constant 15 : i32
      %shift_left3A_78 = vector.broadcast %shift_left3A_77 : i32 to vector<16xi32>
      %shift_left3A_79 = arith.shli %xor3A_57, %shift_left3A_78 : vector<16xi32>
      %shift_right_logical3A_80 = arith.constant 17 : i32
      %shift_right_logical3A_81 = vector.broadcast %shift_right_logical3A_80 : i32 to vector<16xi32>
      %shift_right_logical3A_82 = arith.shrui %xor3A_57, %shift_right_logical3A_81 : vector<16xi32>
      %or3A_83 = arith.ori %shift_left3A_79, %shift_right_logical3A_82 : vector<16xi32>
      %xor3A_84 = arith.xori %or3A_83, %add3A_67 : vector<16xi32>
      %shift_left3A_85 = arith.constant 15 : i32
      %shift_left3A_86 = vector.broadcast %shift_left3A_85 : i32 to vector<16xi32>
      %shift_left3A_87 = arith.shli %xor3A_65, %shift_left3A_86 : vector<16xi32>
      %shift_right_logical3A_88 = arith.constant 17 : i32
      %shift_right_logical3A_89 = vector.broadcast %shift_right_logical3A_88 : i32 to vector<16xi32>
      %shift_right_logical3A_90 = arith.shrui %xor3A_65, %shift_right_logical3A_89 : vector<16xi32>
      %or3A_91 = arith.ori %shift_left3A_87, %shift_right_logical3A_90 : vector<16xi32>
      %xor3A_92 = arith.xori %or3A_91, %add3A_68 : vector<16xi32>
      %add3A_93 = arith.addi %add3A_66, %xor3A_76 : vector<16xi32>
      %add3A_94 = arith.addi %add3A_67, %xor3A_84 : vector<16xi32>
      %add3A_95 = arith.addi %add3A_68, %xor3A_92 : vector<16xi32>
      %shift_left3A_96 = arith.constant 26 : i32
      %shift_left3A_97 = vector.broadcast %shift_left3A_96 : i32 to vector<16xi32>
      %shift_left3A_98 = arith.shli %xor3A_76, %shift_left3A_97 : vector<16xi32>
      %shift_right_logical3A_99 = arith.constant 6 : i32
      %shift_right_logical3A_100 = vector.broadcast %shift_right_logical3A_99 : i32 to vector<16xi32>
      %shift_right_logical3A_101 = arith.shrui %xor3A_76, %shift_right_logical3A_100 : vector<16xi32>
      %or3A_102 = arith.ori %shift_left3A_98, %shift_right_logical3A_101 : vector<16xi32>
      %xor3A_103 = arith.xori %or3A_102, %add3A_93 : vector<16xi32>
      %shift_left3A_104 = arith.constant 26 : i32
      %shift_left3A_105 = vector.broadcast %shift_left3A_104 : i32 to vector<16xi32>
      %shift_left3A_106 = arith.shli %xor3A_84, %shift_left3A_105 : vector<16xi32>
      %shift_right_logical3A_107 = arith.constant 6 : i32
      %shift_right_logical3A_108 = vector.broadcast %shift_right_logical3A_107 : i32 to vector<16xi32>
      %shift_right_logical3A_109 = arith.shrui %xor3A_84, %shift_right_logical3A_108 : vector<16xi32>
      %or3A_110 = arith.ori %shift_left3A_106, %shift_right_logical3A_109 : vector<16xi32>
      %xor3A_111 = arith.xori %or3A_110, %add3A_94 : vector<16xi32>
      %shift_left3A_112 = arith.constant 26 : i32
      %shift_left3A_113 = vector.broadcast %shift_left3A_112 : i32 to vector<16xi32>
      %shift_left3A_114 = arith.shli %xor3A_92, %shift_left3A_113 : vector<16xi32>
      %shift_right_logical3A_115 = arith.constant 6 : i32
      %shift_right_logical3A_116 = vector.broadcast %shift_right_logical3A_115 : i32 to vector<16xi32>
      %shift_right_logical3A_117 = arith.shrui %xor3A_92, %shift_right_logical3A_116 : vector<16xi32>
      %or3A_118 = arith.ori %shift_left3A_114, %shift_right_logical3A_117 : vector<16xi32>
      %xor3A_119 = arith.xori %or3A_118, %add3A_95 : vector<16xi32>
      %add3A_120 = arith.addi %add3A_93, %xor3A_103 : vector<16xi32>
      %add3A_121 = arith.addi %add3A_94, %xor3A_111 : vector<16xi32>
      %add3A_122 = arith.addi %add3A_95, %xor3A_119 : vector<16xi32>
      %shift_left3A_123 = arith.constant 6 : i32
      %shift_left3A_124 = vector.broadcast %shift_left3A_123 : i32 to vector<16xi32>
      %shift_left3A_125 = arith.shli %xor3A_103, %shift_left3A_124 : vector<16xi32>
      %shift_right_logical3A_126 = arith.constant 26 : i32
      %shift_right_logical3A_127 = vector.broadcast %shift_right_logical3A_126 : i32 to vector<16xi32>
      %shift_right_logical3A_128 = arith.shrui %xor3A_103, %shift_right_logical3A_127 : vector<16xi32>
      %or3A_129 = arith.ori %shift_left3A_125, %shift_right_logical3A_128 : vector<16xi32>
      %xor3A_130 = arith.xori %or3A_129, %add3A_120 : vector<16xi32>
      %shift_left3A_131 = arith.constant 6 : i32
      %shift_left3A_132 = vector.broadcast %shift_left3A_131 : i32 to vector<16xi32>
      %shift_left3A_133 = arith.shli %xor3A_111, %shift_left3A_132 : vector<16xi32>
      %shift_right_logical3A_134 = arith.constant 26 : i32
      %shift_right_logical3A_135 = vector.broadcast %shift_right_logical3A_134 : i32 to vector<16xi32>
      %shift_right_logical3A_136 = arith.shrui %xor3A_111, %shift_right_logical3A_135 : vector<16xi32>
      %or3A_137 = arith.ori %shift_left3A_133, %shift_right_logical3A_136 : vector<16xi32>
      %xor3A_138 = arith.xori %or3A_137, %add3A_121 : vector<16xi32>
      %shift_left3A_139 = arith.constant 6 : i32
      %shift_left3A_140 = vector.broadcast %shift_left3A_139 : i32 to vector<16xi32>
      %shift_left3A_141 = arith.shli %xor3A_119, %shift_left3A_140 : vector<16xi32>
      %shift_right_logical3A_142 = arith.constant 26 : i32
      %shift_right_logical3A_143 = vector.broadcast %shift_right_logical3A_142 : i32 to vector<16xi32>
      %shift_right_logical3A_144 = arith.shrui %xor3A_119, %shift_right_logical3A_143 : vector<16xi32>
      %or3A_145 = arith.ori %shift_left3A_141, %shift_right_logical3A_144 : vector<16xi32>
      %xor3A_146 = arith.xori %or3A_145, %add3A_122 : vector<16xi32>
      %add3A_147 = arith.constant 270669613 : i32
      %add3A_148 = vector.broadcast %add3A_147 : i32 to vector<16xi32>
      %add3A_149 = arith.addi %add3A_120, %add3A_148 : vector<16xi32>
      %add3A_150 = arith.constant 1724713081 : i32
      %add3A_151 = vector.broadcast %add3A_150 : i32 to vector<16xi32>
      %add3A_152 = arith.addi %xor3A_130, %add3A_151 : vector<16xi32>
      %add3A_153 = arith.constant 129218101 : i32
      %add3A_154 = vector.broadcast %add3A_153 : i32 to vector<16xi32>
      %add3A_155 = arith.addi %add3A_121, %add3A_154 : vector<16xi32>
      %add3A_156 = arith.constant -1583796449 : i32
      %add3A_157 = vector.broadcast %add3A_156 : i32 to vector<16xi32>
      %add3A_158 = arith.addi %xor3A_138, %add3A_157 : vector<16xi32>
      %add3A_159 = arith.constant 1168365246 : i32
      %add3A_160 = vector.broadcast %add3A_159 : i32 to vector<16xi32>
      %add3A_161 = arith.addi %add3A_122, %add3A_160 : vector<16xi32>
      %add3A_162 = arith.constant -765416503 : i32
      %add3A_163 = vector.broadcast %add3A_162 : i32 to vector<16xi32>
      %add3A_164 = arith.addi %xor3A_146, %add3A_163 : vector<16xi32>
      %add3A_165 = arith.addi %add3A_149, %add3A_152 : vector<16xi32>
      %add3A_166 = arith.addi %add3A_155, %add3A_158 : vector<16xi32>
      %add3A_167 = arith.addi %add3A_161, %add3A_164 : vector<16xi32>
      %shift_left3A_168 = arith.constant 17 : i32
      %shift_left3A_169 = vector.broadcast %shift_left3A_168 : i32 to vector<16xi32>
      %shift_left3A_170 = arith.shli %add3A_152, %shift_left3A_169 : vector<16xi32>
      %shift_right_logical3A_171 = arith.constant 15 : i32
      %shift_right_logical3A_172 = vector.broadcast %shift_right_logical3A_171 : i32 to vector<16xi32>
      %shift_right_logical3A_173 = arith.shrui %add3A_152, %shift_right_logical3A_172 : vector<16xi32>
      %or3A_174 = arith.ori %shift_left3A_170, %shift_right_logical3A_173 : vector<16xi32>
      %xor3A_175 = arith.xori %or3A_174, %add3A_165 : vector<16xi32>
      %shift_left3A_176 = arith.constant 17 : i32
      %shift_left3A_177 = vector.broadcast %shift_left3A_176 : i32 to vector<16xi32>
      %shift_left3A_178 = arith.shli %add3A_158, %shift_left3A_177 : vector<16xi32>
      %shift_right_logical3A_179 = arith.constant 15 : i32
      %shift_right_logical3A_180 = vector.broadcast %shift_right_logical3A_179 : i32 to vector<16xi32>
      %shift_right_logical3A_181 = arith.shrui %add3A_158, %shift_right_logical3A_180 : vector<16xi32>
      %or3A_182 = arith.ori %shift_left3A_178, %shift_right_logical3A_181 : vector<16xi32>
      %xor3A_183 = arith.xori %or3A_182, %add3A_166 : vector<16xi32>
      %shift_left3A_184 = arith.constant 17 : i32
      %shift_left3A_185 = vector.broadcast %shift_left3A_184 : i32 to vector<16xi32>
      %shift_left3A_186 = arith.shli %add3A_164, %shift_left3A_185 : vector<16xi32>
      %shift_right_logical3A_187 = arith.constant 15 : i32
      %shift_right_logical3A_188 = vector.broadcast %shift_right_logical3A_187 : i32 to vector<16xi32>
      %shift_right_logical3A_189 = arith.shrui %add3A_164, %shift_right_logical3A_188 : vector<16xi32>
      %or3A_190 = arith.ori %shift_left3A_186, %shift_right_logical3A_189 : vector<16xi32>
      %xor3A_191 = arith.xori %or3A_190, %add3A_167 : vector<16xi32>
      %add3A_192 = arith.addi %add3A_165, %xor3A_175 : vector<16xi32>
      %add3A_193 = arith.addi %add3A_166, %xor3A_183 : vector<16xi32>
      %add3A_194 = arith.addi %add3A_167, %xor3A_191 : vector<16xi32>
      %shift_left3A_195 = arith.constant 29 : i32
      %shift_left3A_196 = vector.broadcast %shift_left3A_195 : i32 to vector<16xi32>
      %shift_left3A_197 = arith.shli %xor3A_175, %shift_left3A_196 : vector<16xi32>
      %shift_right_logical3A_198 = arith.constant 3 : i32
      %shift_right_logical3A_199 = vector.broadcast %shift_right_logical3A_198 : i32 to vector<16xi32>
      %shift_right_logical3A_200 = arith.shrui %xor3A_175, %shift_right_logical3A_199 : vector<16xi32>
      %or3A_201 = arith.ori %shift_left3A_197, %shift_right_logical3A_200 : vector<16xi32>
      %xor3A_202 = arith.xori %or3A_201, %add3A_192 : vector<16xi32>
      %shift_left3A_203 = arith.constant 29 : i32
      %shift_left3A_204 = vector.broadcast %shift_left3A_203 : i32 to vector<16xi32>
      %shift_left3A_205 = arith.shli %xor3A_183, %shift_left3A_204 : vector<16xi32>
      %shift_right_logical3A_206 = arith.constant 3 : i32
      %shift_right_logical3A_207 = vector.broadcast %shift_right_logical3A_206 : i32 to vector<16xi32>
      %shift_right_logical3A_208 = arith.shrui %xor3A_183, %shift_right_logical3A_207 : vector<16xi32>
      %or3A_209 = arith.ori %shift_left3A_205, %shift_right_logical3A_208 : vector<16xi32>
      %xor3A_210 = arith.xori %or3A_209, %add3A_193 : vector<16xi32>
      %shift_left3A_211 = arith.constant 29 : i32
      %shift_left3A_212 = vector.broadcast %shift_left3A_211 : i32 to vector<16xi32>
      %shift_left3A_213 = arith.shli %xor3A_191, %shift_left3A_212 : vector<16xi32>
      %shift_right_logical3A_214 = arith.constant 3 : i32
      %shift_right_logical3A_215 = vector.broadcast %shift_right_logical3A_214 : i32 to vector<16xi32>
      %shift_right_logical3A_216 = arith.shrui %xor3A_191, %shift_right_logical3A_215 : vector<16xi32>
      %or3A_217 = arith.ori %shift_left3A_213, %shift_right_logical3A_216 : vector<16xi32>
      %xor3A_218 = arith.xori %or3A_217, %add3A_194 : vector<16xi32>
      %add3A_219 = arith.addi %add3A_192, %xor3A_202 : vector<16xi32>
      %add3A_220 = arith.addi %add3A_193, %xor3A_210 : vector<16xi32>
      %add3A_221 = arith.addi %add3A_194, %xor3A_218 : vector<16xi32>
      %shift_left3A_222 = arith.constant 16 : i32
      %shift_left3A_223 = vector.broadcast %shift_left3A_222 : i32 to vector<16xi32>
      %shift_left3A_224 = arith.shli %xor3A_202, %shift_left3A_223 : vector<16xi32>
      %shift_right_logical3A_225 = arith.constant 16 : i32
      %shift_right_logical3A_226 = vector.broadcast %shift_right_logical3A_225 : i32 to vector<16xi32>
      %shift_right_logical3A_227 = arith.shrui %xor3A_202, %shift_right_logical3A_226 : vector<16xi32>
      %or3A_228 = arith.ori %shift_left3A_224, %shift_right_logical3A_227 : vector<16xi32>
      %xor3A_229 = arith.xori %or3A_228, %add3A_219 : vector<16xi32>
      %shift_left3A_230 = arith.constant 16 : i32
      %shift_left3A_231 = vector.broadcast %shift_left3A_230 : i32 to vector<16xi32>
      %shift_left3A_232 = arith.shli %xor3A_210, %shift_left3A_231 : vector<16xi32>
      %shift_right_logical3A_233 = arith.constant 16 : i32
      %shift_right_logical3A_234 = vector.broadcast %shift_right_logical3A_233 : i32 to vector<16xi32>
      %shift_right_logical3A_235 = arith.shrui %xor3A_210, %shift_right_logical3A_234 : vector<16xi32>
      %or3A_236 = arith.ori %shift_left3A_232, %shift_right_logical3A_235 : vector<16xi32>
      %xor3A_237 = arith.xori %or3A_236, %add3A_220 : vector<16xi32>
      %shift_left3A_238 = arith.constant 16 : i32
      %shift_left3A_239 = vector.broadcast %shift_left3A_238 : i32 to vector<16xi32>
      %shift_left3A_240 = arith.shli %xor3A_218, %shift_left3A_239 : vector<16xi32>
      %shift_right_logical3A_241 = arith.constant 16 : i32
      %shift_right_logical3A_242 = vector.broadcast %shift_right_logical3A_241 : i32 to vector<16xi32>
      %shift_right_logical3A_243 = arith.shrui %xor3A_218, %shift_right_logical3A_242 : vector<16xi32>
      %or3A_244 = arith.ori %shift_left3A_240, %shift_right_logical3A_243 : vector<16xi32>
      %xor3A_245 = arith.xori %or3A_244, %add3A_221 : vector<16xi32>
      %add3A_246 = arith.addi %add3A_219, %xor3A_229 : vector<16xi32>
      %add3A_247 = arith.addi %add3A_220, %xor3A_237 : vector<16xi32>
      %add3A_248 = arith.addi %add3A_221, %xor3A_245 : vector<16xi32>
      %shift_left3A_249 = arith.constant 24 : i32
      %shift_left3A_250 = vector.broadcast %shift_left3A_249 : i32 to vector<16xi32>
      %shift_left3A_251 = arith.shli %xor3A_229, %shift_left3A_250 : vector<16xi32>
      %shift_right_logical3A_252 = arith.constant 8 : i32
      %shift_right_logical3A_253 = vector.broadcast %shift_right_logical3A_252 : i32 to vector<16xi32>
      %shift_right_logical3A_254 = arith.shrui %xor3A_229, %shift_right_logical3A_253 : vector<16xi32>
      %or3A_255 = arith.ori %shift_left3A_251, %shift_right_logical3A_254 : vector<16xi32>
      %xor3A_256 = arith.xori %or3A_255, %add3A_246 : vector<16xi32>
      %shift_left3A_257 = arith.constant 24 : i32
      %shift_left3A_258 = vector.broadcast %shift_left3A_257 : i32 to vector<16xi32>
      %shift_left3A_259 = arith.shli %xor3A_237, %shift_left3A_258 : vector<16xi32>
      %shift_right_logical3A_260 = arith.constant 8 : i32
      %shift_right_logical3A_261 = vector.broadcast %shift_right_logical3A_260 : i32 to vector<16xi32>
      %shift_right_logical3A_262 = arith.shrui %xor3A_237, %shift_right_logical3A_261 : vector<16xi32>
      %or3A_263 = arith.ori %shift_left3A_259, %shift_right_logical3A_262 : vector<16xi32>
      %xor3A_264 = arith.xori %or3A_263, %add3A_247 : vector<16xi32>
      %shift_left3A_265 = arith.constant 24 : i32
      %shift_left3A_266 = vector.broadcast %shift_left3A_265 : i32 to vector<16xi32>
      %shift_left3A_267 = arith.shli %xor3A_245, %shift_left3A_266 : vector<16xi32>
      %shift_right_logical3A_268 = arith.constant 8 : i32
      %shift_right_logical3A_269 = vector.broadcast %shift_right_logical3A_268 : i32 to vector<16xi32>
      %shift_right_logical3A_270 = arith.shrui %xor3A_245, %shift_right_logical3A_269 : vector<16xi32>
      %or3A_271 = arith.ori %shift_left3A_267, %shift_right_logical3A_270 : vector<16xi32>
      %xor3A_272 = arith.xori %or3A_271, %add3A_248 : vector<16xi32>
      %add3A_273 = arith.constant 1724713080 : i32
      %add3A_274 = vector.broadcast %add3A_273 : i32 to vector<16xi32>
      %add3A_275 = arith.addi %add3A_246, %add3A_274 : vector<16xi32>
      %add3A_276 = arith.constant 1832780945 : i32
      %add3A_277 = vector.broadcast %add3A_276 : i32 to vector<16xi32>
      %add3A_278 = arith.addi %xor3A_256, %add3A_277 : vector<16xi32>
      %add3A_279 = arith.constant -1583796450 : i32
      %add3A_280 = vector.broadcast %add3A_279 : i32 to vector<16xi32>
      %add3A_281 = arith.addi %add3A_247, %add3A_280 : vector<16xi32>
      %add3A_282 = arith.constant -1107590413 : i32
      %add3A_283 = vector.broadcast %add3A_282 : i32 to vector<16xi32>
      %add3A_284 = arith.addi %xor3A_264, %add3A_283 : vector<16xi32>
      %add3A_285 = arith.constant -765416504 : i32
      %add3A_286 = vector.broadcast %add3A_285 : i32 to vector<16xi32>
      %add3A_287 = arith.addi %add3A_248, %add3A_286 : vector<16xi32>
      %add3A_288 = arith.constant -1944951122 : i32
      %add3A_289 = vector.broadcast %add3A_288 : i32 to vector<16xi32>
      %add3A_290 = arith.addi %xor3A_272, %add3A_289 : vector<16xi32>
      %add3A_291 = arith.addi %add3A_275, %add3A_278 : vector<16xi32>
      %add3A_292 = arith.addi %add3A_281, %add3A_284 : vector<16xi32>
      %add3A_293 = arith.addi %add3A_287, %add3A_290 : vector<16xi32>
      %shift_left3A_294 = arith.constant 13 : i32
      %shift_left3A_295 = vector.broadcast %shift_left3A_294 : i32 to vector<16xi32>
      %shift_left3A_296 = arith.shli %add3A_278, %shift_left3A_295 : vector<16xi32>
      %shift_right_logical3A_297 = arith.constant 19 : i32
      %shift_right_logical3A_298 = vector.broadcast %shift_right_logical3A_297 : i32 to vector<16xi32>
      %shift_right_logical3A_299 = arith.shrui %add3A_278, %shift_right_logical3A_298 : vector<16xi32>
      %or3A_300 = arith.ori %shift_left3A_296, %shift_right_logical3A_299 : vector<16xi32>
      %xor3A_301 = arith.xori %or3A_300, %add3A_291 : vector<16xi32>
      %shift_left3A_302 = arith.constant 13 : i32
      %shift_left3A_303 = vector.broadcast %shift_left3A_302 : i32 to vector<16xi32>
      %shift_left3A_304 = arith.shli %add3A_284, %shift_left3A_303 : vector<16xi32>
      %shift_right_logical3A_305 = arith.constant 19 : i32
      %shift_right_logical3A_306 = vector.broadcast %shift_right_logical3A_305 : i32 to vector<16xi32>
      %shift_right_logical3A_307 = arith.shrui %add3A_284, %shift_right_logical3A_306 : vector<16xi32>
      %or3A_308 = arith.ori %shift_left3A_304, %shift_right_logical3A_307 : vector<16xi32>
      %xor3A_309 = arith.xori %or3A_308, %add3A_292 : vector<16xi32>
      %shift_left3A_310 = arith.constant 13 : i32
      %shift_left3A_311 = vector.broadcast %shift_left3A_310 : i32 to vector<16xi32>
      %shift_left3A_312 = arith.shli %add3A_290, %shift_left3A_311 : vector<16xi32>
      %shift_right_logical3A_313 = arith.constant 19 : i32
      %shift_right_logical3A_314 = vector.broadcast %shift_right_logical3A_313 : i32 to vector<16xi32>
      %shift_right_logical3A_315 = arith.shrui %add3A_290, %shift_right_logical3A_314 : vector<16xi32>
      %or3A_316 = arith.ori %shift_left3A_312, %shift_right_logical3A_315 : vector<16xi32>
      %xor3A_317 = arith.xori %or3A_316, %add3A_293 : vector<16xi32>
      %add3A_318 = arith.addi %add3A_291, %xor3A_301 : vector<16xi32>
      %add3A_319 = arith.addi %add3A_292, %xor3A_309 : vector<16xi32>
      %add3A_320 = arith.addi %add3A_293, %xor3A_317 : vector<16xi32>
      %shift_left3A_321 = arith.constant 15 : i32
      %shift_left3A_322 = vector.broadcast %shift_left3A_321 : i32 to vector<16xi32>
      %shift_left3A_323 = arith.shli %xor3A_301, %shift_left3A_322 : vector<16xi32>
      %shift_right_logical3A_324 = arith.constant 17 : i32
      %shift_right_logical3A_325 = vector.broadcast %shift_right_logical3A_324 : i32 to vector<16xi32>
      %shift_right_logical3A_326 = arith.shrui %xor3A_301, %shift_right_logical3A_325 : vector<16xi32>
      %or3A_327 = arith.ori %shift_left3A_323, %shift_right_logical3A_326 : vector<16xi32>
      %xor3A_328 = arith.xori %or3A_327, %add3A_318 : vector<16xi32>
      %shift_left3A_329 = arith.constant 15 : i32
      %shift_left3A_330 = vector.broadcast %shift_left3A_329 : i32 to vector<16xi32>
      %shift_left3A_331 = arith.shli %xor3A_309, %shift_left3A_330 : vector<16xi32>
      %shift_right_logical3A_332 = arith.constant 17 : i32
      %shift_right_logical3A_333 = vector.broadcast %shift_right_logical3A_332 : i32 to vector<16xi32>
      %shift_right_logical3A_334 = arith.shrui %xor3A_309, %shift_right_logical3A_333 : vector<16xi32>
      %or3A_335 = arith.ori %shift_left3A_331, %shift_right_logical3A_334 : vector<16xi32>
      %xor3A_336 = arith.xori %or3A_335, %add3A_319 : vector<16xi32>
      %shift_left3A_337 = arith.constant 15 : i32
      %shift_left3A_338 = vector.broadcast %shift_left3A_337 : i32 to vector<16xi32>
      %shift_left3A_339 = arith.shli %xor3A_317, %shift_left3A_338 : vector<16xi32>
      %shift_right_logical3A_340 = arith.constant 17 : i32
      %shift_right_logical3A_341 = vector.broadcast %shift_right_logical3A_340 : i32 to vector<16xi32>
      %shift_right_logical3A_342 = arith.shrui %xor3A_317, %shift_right_logical3A_341 : vector<16xi32>
      %or3A_343 = arith.ori %shift_left3A_339, %shift_right_logical3A_342 : vector<16xi32>
      %xor3A_344 = arith.xori %or3A_343, %add3A_320 : vector<16xi32>
      %add3A_345 = arith.addi %add3A_318, %xor3A_328 : vector<16xi32>
      %add3A_346 = arith.addi %add3A_319, %xor3A_336 : vector<16xi32>
      %add3A_347 = arith.addi %add3A_320, %xor3A_344 : vector<16xi32>
      %shift_left3A_348 = arith.constant 26 : i32
      %shift_left3A_349 = vector.broadcast %shift_left3A_348 : i32 to vector<16xi32>
      %shift_left3A_350 = arith.shli %xor3A_328, %shift_left3A_349 : vector<16xi32>
      %shift_right_logical3A_351 = arith.constant 6 : i32
      %shift_right_logical3A_352 = vector.broadcast %shift_right_logical3A_351 : i32 to vector<16xi32>
      %shift_right_logical3A_353 = arith.shrui %xor3A_328, %shift_right_logical3A_352 : vector<16xi32>
      %or3A_354 = arith.ori %shift_left3A_350, %shift_right_logical3A_353 : vector<16xi32>
      %xor3A_355 = arith.xori %or3A_354, %add3A_345 : vector<16xi32>
      %shift_left3A_356 = arith.constant 26 : i32
      %shift_left3A_357 = vector.broadcast %shift_left3A_356 : i32 to vector<16xi32>
      %shift_left3A_358 = arith.shli %xor3A_336, %shift_left3A_357 : vector<16xi32>
      %shift_right_logical3A_359 = arith.constant 6 : i32
      %shift_right_logical3A_360 = vector.broadcast %shift_right_logical3A_359 : i32 to vector<16xi32>
      %shift_right_logical3A_361 = arith.shrui %xor3A_336, %shift_right_logical3A_360 : vector<16xi32>
      %or3A_362 = arith.ori %shift_left3A_358, %shift_right_logical3A_361 : vector<16xi32>
      %xor3A_363 = arith.xori %or3A_362, %add3A_346 : vector<16xi32>
      %shift_left3A_364 = arith.constant 26 : i32
      %shift_left3A_365 = vector.broadcast %shift_left3A_364 : i32 to vector<16xi32>
      %shift_left3A_366 = arith.shli %xor3A_344, %shift_left3A_365 : vector<16xi32>
      %shift_right_logical3A_367 = arith.constant 6 : i32
      %shift_right_logical3A_368 = vector.broadcast %shift_right_logical3A_367 : i32 to vector<16xi32>
      %shift_right_logical3A_369 = arith.shrui %xor3A_344, %shift_right_logical3A_368 : vector<16xi32>
      %or3A_370 = arith.ori %shift_left3A_366, %shift_right_logical3A_369 : vector<16xi32>
      %xor3A_371 = arith.xori %or3A_370, %add3A_347 : vector<16xi32>
      %add3A_372 = arith.addi %add3A_345, %xor3A_355 : vector<16xi32>
      %add3A_373 = arith.addi %add3A_346, %xor3A_363 : vector<16xi32>
      %add3A_374 = arith.addi %add3A_347, %xor3A_371 : vector<16xi32>
      %shift_left3A_375 = arith.constant 6 : i32
      %shift_left3A_376 = vector.broadcast %shift_left3A_375 : i32 to vector<16xi32>
      %shift_left3A_377 = arith.shli %xor3A_355, %shift_left3A_376 : vector<16xi32>
      %shift_right_logical3A_378 = arith.constant 26 : i32
      %shift_right_logical3A_379 = vector.broadcast %shift_right_logical3A_378 : i32 to vector<16xi32>
      %shift_right_logical3A_380 = arith.shrui %xor3A_355, %shift_right_logical3A_379 : vector<16xi32>
      %or3A_381 = arith.ori %shift_left3A_377, %shift_right_logical3A_380 : vector<16xi32>
      %xor3A_382 = arith.xori %or3A_381, %add3A_372 : vector<16xi32>
      %shift_left3A_383 = arith.constant 6 : i32
      %shift_left3A_384 = vector.broadcast %shift_left3A_383 : i32 to vector<16xi32>
      %shift_left3A_385 = arith.shli %xor3A_363, %shift_left3A_384 : vector<16xi32>
      %shift_right_logical3A_386 = arith.constant 26 : i32
      %shift_right_logical3A_387 = vector.broadcast %shift_right_logical3A_386 : i32 to vector<16xi32>
      %shift_right_logical3A_388 = arith.shrui %xor3A_363, %shift_right_logical3A_387 : vector<16xi32>
      %or3A_389 = arith.ori %shift_left3A_385, %shift_right_logical3A_388 : vector<16xi32>
      %xor3A_390 = arith.xori %or3A_389, %add3A_373 : vector<16xi32>
      %shift_left3A_391 = arith.constant 6 : i32
      %shift_left3A_392 = vector.broadcast %shift_left3A_391 : i32 to vector<16xi32>
      %shift_left3A_393 = arith.shli %xor3A_371, %shift_left3A_392 : vector<16xi32>
      %shift_right_logical3A_394 = arith.constant 26 : i32
      %shift_right_logical3A_395 = vector.broadcast %shift_right_logical3A_394 : i32 to vector<16xi32>
      %shift_right_logical3A_396 = arith.shrui %xor3A_371, %shift_right_logical3A_395 : vector<16xi32>
      %or3A_397 = arith.ori %shift_left3A_393, %shift_right_logical3A_396 : vector<16xi32>
      %xor3A_398 = arith.xori %or3A_397, %add3A_374 : vector<16xi32>
      %add3A_399 = arith.constant 1832780943 : i32
      %add3A_400 = vector.broadcast %add3A_399 : i32 to vector<16xi32>
      %add3A_401 = arith.addi %add3A_372, %add3A_400 : vector<16xi32>
      %add3A_402 = arith.constant 270669616 : i32
      %add3A_403 = vector.broadcast %add3A_402 : i32 to vector<16xi32>
      %add3A_404 = arith.addi %xor3A_382, %add3A_403 : vector<16xi32>
      %add3A_405 = arith.constant -1107590415 : i32
      %add3A_406 = vector.broadcast %add3A_405 : i32 to vector<16xi32>
      %add3A_407 = arith.addi %add3A_373, %add3A_406 : vector<16xi32>
      %add3A_408 = arith.constant 129218104 : i32
      %add3A_409 = vector.broadcast %add3A_408 : i32 to vector<16xi32>
      %add3A_410 = arith.addi %xor3A_390, %add3A_409 : vector<16xi32>
      %add3A_411 = arith.constant -1944951124 : i32
      %add3A_412 = vector.broadcast %add3A_411 : i32 to vector<16xi32>
      %add3A_413 = arith.addi %add3A_374, %add3A_412 : vector<16xi32>
      %add3A_414 = arith.constant 1168365249 : i32
      %add3A_415 = vector.broadcast %add3A_414 : i32 to vector<16xi32>
      %add3A_416 = arith.addi %xor3A_398, %add3A_415 : vector<16xi32>
      %add3A_417 = arith.addi %add3A_401, %add3A_404 : vector<16xi32>
      %add3A_418 = arith.addi %add3A_407, %add3A_410 : vector<16xi32>
      %add3A_419 = arith.addi %add3A_413, %add3A_416 : vector<16xi32>
      %shift_left3A_420 = arith.constant 17 : i32
      %shift_left3A_421 = vector.broadcast %shift_left3A_420 : i32 to vector<16xi32>
      %shift_left3A_422 = arith.shli %add3A_404, %shift_left3A_421 : vector<16xi32>
      %shift_right_logical3A_423 = arith.constant 15 : i32
      %shift_right_logical3A_424 = vector.broadcast %shift_right_logical3A_423 : i32 to vector<16xi32>
      %shift_right_logical3A_425 = arith.shrui %add3A_404, %shift_right_logical3A_424 : vector<16xi32>
      %or3A_426 = arith.ori %shift_left3A_422, %shift_right_logical3A_425 : vector<16xi32>
      %xor3A_427 = arith.xori %or3A_426, %add3A_417 : vector<16xi32>
      %shift_left3A_428 = arith.constant 17 : i32
      %shift_left3A_429 = vector.broadcast %shift_left3A_428 : i32 to vector<16xi32>
      %shift_left3A_430 = arith.shli %add3A_410, %shift_left3A_429 : vector<16xi32>
      %shift_right_logical3A_431 = arith.constant 15 : i32
      %shift_right_logical3A_432 = vector.broadcast %shift_right_logical3A_431 : i32 to vector<16xi32>
      %shift_right_logical3A_433 = arith.shrui %add3A_410, %shift_right_logical3A_432 : vector<16xi32>
      %or3A_434 = arith.ori %shift_left3A_430, %shift_right_logical3A_433 : vector<16xi32>
      %xor3A_435 = arith.xori %or3A_434, %add3A_418 : vector<16xi32>
      %shift_left3A_436 = arith.constant 17 : i32
      %shift_left3A_437 = vector.broadcast %shift_left3A_436 : i32 to vector<16xi32>
      %shift_left3A_438 = arith.shli %add3A_416, %shift_left3A_437 : vector<16xi32>
      %shift_right_logical3A_439 = arith.constant 15 : i32
      %shift_right_logical3A_440 = vector.broadcast %shift_right_logical3A_439 : i32 to vector<16xi32>
      %shift_right_logical3A_441 = arith.shrui %add3A_416, %shift_right_logical3A_440 : vector<16xi32>
      %or3A_442 = arith.ori %shift_left3A_438, %shift_right_logical3A_441 : vector<16xi32>
      %xor3A_443 = arith.xori %or3A_442, %add3A_419 : vector<16xi32>
      %add3A_444 = arith.addi %add3A_417, %xor3A_427 : vector<16xi32>
      %add3A_445 = arith.addi %add3A_418, %xor3A_435 : vector<16xi32>
      %add3A_446 = arith.addi %add3A_419, %xor3A_443 : vector<16xi32>
      %shift_left3A_447 = arith.constant 29 : i32
      %shift_left3A_448 = vector.broadcast %shift_left3A_447 : i32 to vector<16xi32>
      %shift_left3A_449 = arith.shli %xor3A_427, %shift_left3A_448 : vector<16xi32>
      %shift_right_logical3A_450 = arith.constant 3 : i32
      %shift_right_logical3A_451 = vector.broadcast %shift_right_logical3A_450 : i32 to vector<16xi32>
      %shift_right_logical3A_452 = arith.shrui %xor3A_427, %shift_right_logical3A_451 : vector<16xi32>
      %or3A_453 = arith.ori %shift_left3A_449, %shift_right_logical3A_452 : vector<16xi32>
      %xor3A_454 = arith.xori %or3A_453, %add3A_444 : vector<16xi32>
      %shift_left3A_455 = arith.constant 29 : i32
      %shift_left3A_456 = vector.broadcast %shift_left3A_455 : i32 to vector<16xi32>
      %shift_left3A_457 = arith.shli %xor3A_435, %shift_left3A_456 : vector<16xi32>
      %shift_right_logical3A_458 = arith.constant 3 : i32
      %shift_right_logical3A_459 = vector.broadcast %shift_right_logical3A_458 : i32 to vector<16xi32>
      %shift_right_logical3A_460 = arith.shrui %xor3A_435, %shift_right_logical3A_459 : vector<16xi32>
      %or3A_461 = arith.ori %shift_left3A_457, %shift_right_logical3A_460 : vector<16xi32>
      %xor3A_462 = arith.xori %or3A_461, %add3A_445 : vector<16xi32>
      %shift_left3A_463 = arith.constant 29 : i32
      %shift_left3A_464 = vector.broadcast %shift_left3A_463 : i32 to vector<16xi32>
      %shift_left3A_465 = arith.shli %xor3A_443, %shift_left3A_464 : vector<16xi32>
      %shift_right_logical3A_466 = arith.constant 3 : i32
      %shift_right_logical3A_467 = vector.broadcast %shift_right_logical3A_466 : i32 to vector<16xi32>
      %shift_right_logical3A_468 = arith.shrui %xor3A_443, %shift_right_logical3A_467 : vector<16xi32>
      %or3A_469 = arith.ori %shift_left3A_465, %shift_right_logical3A_468 : vector<16xi32>
      %xor3A_470 = arith.xori %or3A_469, %add3A_446 : vector<16xi32>
      %add3A_471 = arith.addi %add3A_444, %xor3A_454 : vector<16xi32>
      %add3A_472 = arith.addi %add3A_445, %xor3A_462 : vector<16xi32>
      %add3A_473 = arith.addi %add3A_446, %xor3A_470 : vector<16xi32>
      %shift_left3A_474 = arith.constant 16 : i32
      %shift_left3A_475 = vector.broadcast %shift_left3A_474 : i32 to vector<16xi32>
      %shift_left3A_476 = arith.shli %xor3A_454, %shift_left3A_475 : vector<16xi32>
      %shift_right_logical3A_477 = arith.constant 16 : i32
      %shift_right_logical3A_478 = vector.broadcast %shift_right_logical3A_477 : i32 to vector<16xi32>
      %shift_right_logical3A_479 = arith.shrui %xor3A_454, %shift_right_logical3A_478 : vector<16xi32>
      %or3A_480 = arith.ori %shift_left3A_476, %shift_right_logical3A_479 : vector<16xi32>
      %xor3A_481 = arith.xori %or3A_480, %add3A_471 : vector<16xi32>
      %shift_left3A_482 = arith.constant 16 : i32
      %shift_left3A_483 = vector.broadcast %shift_left3A_482 : i32 to vector<16xi32>
      %shift_left3A_484 = arith.shli %xor3A_462, %shift_left3A_483 : vector<16xi32>
      %shift_right_logical3A_485 = arith.constant 16 : i32
      %shift_right_logical3A_486 = vector.broadcast %shift_right_logical3A_485 : i32 to vector<16xi32>
      %shift_right_logical3A_487 = arith.shrui %xor3A_462, %shift_right_logical3A_486 : vector<16xi32>
      %or3A_488 = arith.ori %shift_left3A_484, %shift_right_logical3A_487 : vector<16xi32>
      %xor3A_489 = arith.xori %or3A_488, %add3A_472 : vector<16xi32>
      %shift_left3A_490 = arith.constant 16 : i32
      %shift_left3A_491 = vector.broadcast %shift_left3A_490 : i32 to vector<16xi32>
      %shift_left3A_492 = arith.shli %xor3A_470, %shift_left3A_491 : vector<16xi32>
      %shift_right_logical3A_493 = arith.constant 16 : i32
      %shift_right_logical3A_494 = vector.broadcast %shift_right_logical3A_493 : i32 to vector<16xi32>
      %shift_right_logical3A_495 = arith.shrui %xor3A_470, %shift_right_logical3A_494 : vector<16xi32>
      %or3A_496 = arith.ori %shift_left3A_492, %shift_right_logical3A_495 : vector<16xi32>
      %xor3A_497 = arith.xori %or3A_496, %add3A_473 : vector<16xi32>
      %add3A_498 = arith.addi %add3A_471, %xor3A_481 : vector<16xi32>
      %add3A_499 = arith.addi %add3A_472, %xor3A_489 : vector<16xi32>
      %add3A_500 = arith.addi %add3A_473, %xor3A_497 : vector<16xi32>
      %shift_left3A_501 = arith.constant 24 : i32
      %shift_left3A_502 = vector.broadcast %shift_left3A_501 : i32 to vector<16xi32>
      %shift_left3A_503 = arith.shli %xor3A_481, %shift_left3A_502 : vector<16xi32>
      %shift_right_logical3A_504 = arith.constant 8 : i32
      %shift_right_logical3A_505 = vector.broadcast %shift_right_logical3A_504 : i32 to vector<16xi32>
      %shift_right_logical3A_506 = arith.shrui %xor3A_481, %shift_right_logical3A_505 : vector<16xi32>
      %or3A_507 = arith.ori %shift_left3A_503, %shift_right_logical3A_506 : vector<16xi32>
      %xor3A_508 = arith.xori %or3A_507, %add3A_498 : vector<16xi32>
      %shift_left3A_509 = arith.constant 24 : i32
      %shift_left3A_510 = vector.broadcast %shift_left3A_509 : i32 to vector<16xi32>
      %shift_left3A_511 = arith.shli %xor3A_489, %shift_left3A_510 : vector<16xi32>
      %shift_right_logical3A_512 = arith.constant 8 : i32
      %shift_right_logical3A_513 = vector.broadcast %shift_right_logical3A_512 : i32 to vector<16xi32>
      %shift_right_logical3A_514 = arith.shrui %xor3A_489, %shift_right_logical3A_513 : vector<16xi32>
      %or3A_515 = arith.ori %shift_left3A_511, %shift_right_logical3A_514 : vector<16xi32>
      %xor3A_516 = arith.xori %or3A_515, %add3A_499 : vector<16xi32>
      %shift_left3A_517 = arith.constant 24 : i32
      %shift_left3A_518 = vector.broadcast %shift_left3A_517 : i32 to vector<16xi32>
      %shift_left3A_519 = arith.shli %xor3A_497, %shift_left3A_518 : vector<16xi32>
      %shift_right_logical3A_520 = arith.constant 8 : i32
      %shift_right_logical3A_521 = vector.broadcast %shift_right_logical3A_520 : i32 to vector<16xi32>
      %shift_right_logical3A_522 = arith.shrui %xor3A_497, %shift_right_logical3A_521 : vector<16xi32>
      %or3A_523 = arith.ori %shift_left3A_519, %shift_right_logical3A_522 : vector<16xi32>
      %xor3A_524 = arith.xori %or3A_523, %add3A_500 : vector<16xi32>
      %add3A_525 = arith.constant 270669613 : i32
      %add3A_526 = vector.broadcast %add3A_525 : i32 to vector<16xi32>
      %add3A_527 = arith.addi %add3A_498, %add3A_526 : vector<16xi32>
      %add3A_528 = arith.constant 1724713084 : i32
      %add3A_529 = vector.broadcast %add3A_528 : i32 to vector<16xi32>
      %add3A_530 = arith.addi %xor3A_508, %add3A_529 : vector<16xi32>
      %add3A_531 = arith.constant 129218101 : i32
      %add3A_532 = vector.broadcast %add3A_531 : i32 to vector<16xi32>
      %add3A_533 = arith.addi %add3A_499, %add3A_532 : vector<16xi32>
      %add3A_534 = arith.constant -1583796446 : i32
      %add3A_535 = vector.broadcast %add3A_534 : i32 to vector<16xi32>
      %add3A_536 = arith.addi %xor3A_516, %add3A_535 : vector<16xi32>
      %add3A_537 = arith.constant 1168365246 : i32
      %add3A_538 = vector.broadcast %add3A_537 : i32 to vector<16xi32>
      %add3A_539 = arith.addi %add3A_500, %add3A_538 : vector<16xi32>
      %add3A_540 = arith.constant -765416500 : i32
      %add3A_541 = vector.broadcast %add3A_540 : i32 to vector<16xi32>
      %add3A_542 = arith.addi %xor3A_524, %add3A_541 : vector<16xi32>
      %add3A_543 = arith.addi %add3A_527, %add3A_530 : vector<16xi32>
      %add3A_544 = arith.addi %add3A_533, %add3A_536 : vector<16xi32>
      %add3A_545 = arith.addi %add3A_539, %add3A_542 : vector<16xi32>
      %shift_left3A_546 = arith.constant 13 : i32
      %shift_left3A_547 = vector.broadcast %shift_left3A_546 : i32 to vector<16xi32>
      %shift_left3A_548 = arith.shli %add3A_530, %shift_left3A_547 : vector<16xi32>
      %shift_right_logical3A_549 = arith.constant 19 : i32
      %shift_right_logical3A_550 = vector.broadcast %shift_right_logical3A_549 : i32 to vector<16xi32>
      %shift_right_logical3A_551 = arith.shrui %add3A_530, %shift_right_logical3A_550 : vector<16xi32>
      %or3A_552 = arith.ori %shift_left3A_548, %shift_right_logical3A_551 : vector<16xi32>
      %xor3A_553 = arith.xori %or3A_552, %add3A_543 : vector<16xi32>
      %shift_left3A_554 = arith.constant 13 : i32
      %shift_left3A_555 = vector.broadcast %shift_left3A_554 : i32 to vector<16xi32>
      %shift_left3A_556 = arith.shli %add3A_536, %shift_left3A_555 : vector<16xi32>
      %shift_right_logical3A_557 = arith.constant 19 : i32
      %shift_right_logical3A_558 = vector.broadcast %shift_right_logical3A_557 : i32 to vector<16xi32>
      %shift_right_logical3A_559 = arith.shrui %add3A_536, %shift_right_logical3A_558 : vector<16xi32>
      %or3A_560 = arith.ori %shift_left3A_556, %shift_right_logical3A_559 : vector<16xi32>
      %xor3A_561 = arith.xori %or3A_560, %add3A_544 : vector<16xi32>
      %shift_left3A_562 = arith.constant 13 : i32
      %shift_left3A_563 = vector.broadcast %shift_left3A_562 : i32 to vector<16xi32>
      %shift_left3A_564 = arith.shli %add3A_542, %shift_left3A_563 : vector<16xi32>
      %shift_right_logical3A_565 = arith.constant 19 : i32
      %shift_right_logical3A_566 = vector.broadcast %shift_right_logical3A_565 : i32 to vector<16xi32>
      %shift_right_logical3A_567 = arith.shrui %add3A_542, %shift_right_logical3A_566 : vector<16xi32>
      %or3A_568 = arith.ori %shift_left3A_564, %shift_right_logical3A_567 : vector<16xi32>
      %xor3A_569 = arith.xori %or3A_568, %add3A_545 : vector<16xi32>
      %add3A_570 = arith.addi %add3A_543, %xor3A_553 : vector<16xi32>
      %add3A_571 = arith.addi %add3A_544, %xor3A_561 : vector<16xi32>
      %add3A_572 = arith.addi %add3A_545, %xor3A_569 : vector<16xi32>
      %shift_left3A_573 = arith.constant 15 : i32
      %shift_left3A_574 = vector.broadcast %shift_left3A_573 : i32 to vector<16xi32>
      %shift_left3A_575 = arith.shli %xor3A_553, %shift_left3A_574 : vector<16xi32>
      %shift_right_logical3A_576 = arith.constant 17 : i32
      %shift_right_logical3A_577 = vector.broadcast %shift_right_logical3A_576 : i32 to vector<16xi32>
      %shift_right_logical3A_578 = arith.shrui %xor3A_553, %shift_right_logical3A_577 : vector<16xi32>
      %or3A_579 = arith.ori %shift_left3A_575, %shift_right_logical3A_578 : vector<16xi32>
      %xor3A_580 = arith.xori %or3A_579, %add3A_570 : vector<16xi32>
      %shift_left3A_581 = arith.constant 15 : i32
      %shift_left3A_582 = vector.broadcast %shift_left3A_581 : i32 to vector<16xi32>
      %shift_left3A_583 = arith.shli %xor3A_561, %shift_left3A_582 : vector<16xi32>
      %shift_right_logical3A_584 = arith.constant 17 : i32
      %shift_right_logical3A_585 = vector.broadcast %shift_right_logical3A_584 : i32 to vector<16xi32>
      %shift_right_logical3A_586 = arith.shrui %xor3A_561, %shift_right_logical3A_585 : vector<16xi32>
      %or3A_587 = arith.ori %shift_left3A_583, %shift_right_logical3A_586 : vector<16xi32>
      %xor3A_588 = arith.xori %or3A_587, %add3A_571 : vector<16xi32>
      %shift_left3A_589 = arith.constant 15 : i32
      %shift_left3A_590 = vector.broadcast %shift_left3A_589 : i32 to vector<16xi32>
      %shift_left3A_591 = arith.shli %xor3A_569, %shift_left3A_590 : vector<16xi32>
      %shift_right_logical3A_592 = arith.constant 17 : i32
      %shift_right_logical3A_593 = vector.broadcast %shift_right_logical3A_592 : i32 to vector<16xi32>
      %shift_right_logical3A_594 = arith.shrui %xor3A_569, %shift_right_logical3A_593 : vector<16xi32>
      %or3A_595 = arith.ori %shift_left3A_591, %shift_right_logical3A_594 : vector<16xi32>
      %xor3A_596 = arith.xori %or3A_595, %add3A_572 : vector<16xi32>
      %add3A_597 = arith.addi %add3A_570, %xor3A_580 : vector<16xi32>
      %add3A_598 = arith.addi %add3A_571, %xor3A_588 : vector<16xi32>
      %add3A_599 = arith.addi %add3A_572, %xor3A_596 : vector<16xi32>
      %shift_left3A_600 = arith.constant 26 : i32
      %shift_left3A_601 = vector.broadcast %shift_left3A_600 : i32 to vector<16xi32>
      %shift_left3A_602 = arith.shli %xor3A_580, %shift_left3A_601 : vector<16xi32>
      %shift_right_logical3A_603 = arith.constant 6 : i32
      %shift_right_logical3A_604 = vector.broadcast %shift_right_logical3A_603 : i32 to vector<16xi32>
      %shift_right_logical3A_605 = arith.shrui %xor3A_580, %shift_right_logical3A_604 : vector<16xi32>
      %or3A_606 = arith.ori %shift_left3A_602, %shift_right_logical3A_605 : vector<16xi32>
      %xor3A_607 = arith.xori %or3A_606, %add3A_597 : vector<16xi32>
      %shift_left3A_608 = arith.constant 26 : i32
      %shift_left3A_609 = vector.broadcast %shift_left3A_608 : i32 to vector<16xi32>
      %shift_left3A_610 = arith.shli %xor3A_588, %shift_left3A_609 : vector<16xi32>
      %shift_right_logical3A_611 = arith.constant 6 : i32
      %shift_right_logical3A_612 = vector.broadcast %shift_right_logical3A_611 : i32 to vector<16xi32>
      %shift_right_logical3A_613 = arith.shrui %xor3A_588, %shift_right_logical3A_612 : vector<16xi32>
      %or3A_614 = arith.ori %shift_left3A_610, %shift_right_logical3A_613 : vector<16xi32>
      %xor3A_615 = arith.xori %or3A_614, %add3A_598 : vector<16xi32>
      %shift_left3A_616 = arith.constant 26 : i32
      %shift_left3A_617 = vector.broadcast %shift_left3A_616 : i32 to vector<16xi32>
      %shift_left3A_618 = arith.shli %xor3A_596, %shift_left3A_617 : vector<16xi32>
      %shift_right_logical3A_619 = arith.constant 6 : i32
      %shift_right_logical3A_620 = vector.broadcast %shift_right_logical3A_619 : i32 to vector<16xi32>
      %shift_right_logical3A_621 = arith.shrui %xor3A_596, %shift_right_logical3A_620 : vector<16xi32>
      %or3A_622 = arith.ori %shift_left3A_618, %shift_right_logical3A_621 : vector<16xi32>
      %xor3A_623 = arith.xori %or3A_622, %add3A_599 : vector<16xi32>
      %add3A_624 = arith.addi %add3A_597, %xor3A_607 : vector<16xi32>
      %add3A_625 = arith.addi %add3A_598, %xor3A_615 : vector<16xi32>
      %add3A_626 = arith.addi %add3A_599, %xor3A_623 : vector<16xi32>
      %shift_left3A_627 = arith.constant 6 : i32
      %shift_left3A_628 = vector.broadcast %shift_left3A_627 : i32 to vector<16xi32>
      %shift_left3A_629 = arith.shli %xor3A_607, %shift_left3A_628 : vector<16xi32>
      %shift_right_logical3A_630 = arith.constant 26 : i32
      %shift_right_logical3A_631 = vector.broadcast %shift_right_logical3A_630 : i32 to vector<16xi32>
      %shift_right_logical3A_632 = arith.shrui %xor3A_607, %shift_right_logical3A_631 : vector<16xi32>
      %or3A_633 = arith.ori %shift_left3A_629, %shift_right_logical3A_632 : vector<16xi32>
      %xor3A_634 = arith.xori %or3A_633, %add3A_624 : vector<16xi32>
      %shift_left3A_635 = arith.constant 6 : i32
      %shift_left3A_636 = vector.broadcast %shift_left3A_635 : i32 to vector<16xi32>
      %shift_left3A_637 = arith.shli %xor3A_615, %shift_left3A_636 : vector<16xi32>
      %shift_right_logical3A_638 = arith.constant 26 : i32
      %shift_right_logical3A_639 = vector.broadcast %shift_right_logical3A_638 : i32 to vector<16xi32>
      %shift_right_logical3A_640 = arith.shrui %xor3A_615, %shift_right_logical3A_639 : vector<16xi32>
      %or3A_641 = arith.ori %shift_left3A_637, %shift_right_logical3A_640 : vector<16xi32>
      %xor3A_642 = arith.xori %or3A_641, %add3A_625 : vector<16xi32>
      %shift_left3A_643 = arith.constant 6 : i32
      %shift_left3A_644 = vector.broadcast %shift_left3A_643 : i32 to vector<16xi32>
      %shift_left3A_645 = arith.shli %xor3A_623, %shift_left3A_644 : vector<16xi32>
      %shift_right_logical3A_646 = arith.constant 26 : i32
      %shift_right_logical3A_647 = vector.broadcast %shift_right_logical3A_646 : i32 to vector<16xi32>
      %shift_right_logical3A_648 = arith.shrui %xor3A_623, %shift_right_logical3A_647 : vector<16xi32>
      %or3A_649 = arith.ori %shift_left3A_645, %shift_right_logical3A_648 : vector<16xi32>
      %xor3A_650 = arith.xori %or3A_649, %add3A_626 : vector<16xi32>
      %add3A_651 = arith.constant 1724713080 : i32
      %add3A_652 = vector.broadcast %add3A_651 : i32 to vector<16xi32>
      %add3A_653 = arith.addi %add3A_624, %add3A_652 : vector<16xi32>
      %add3A_654 = arith.constant 1832780948 : i32
      %add3A_655 = vector.broadcast %add3A_654 : i32 to vector<16xi32>
      %add3A_656 = arith.addi %xor3A_634, %add3A_655 : vector<16xi32>
      %add3A_657 = arith.constant -1583796450 : i32
      %add3A_658 = vector.broadcast %add3A_657 : i32 to vector<16xi32>
      %add3A_659 = arith.addi %add3A_625, %add3A_658 : vector<16xi32>
      %add3A_660 = arith.constant -1107590410 : i32
      %add3A_661 = vector.broadcast %add3A_660 : i32 to vector<16xi32>
      %add3A_662 = arith.addi %xor3A_642, %add3A_661 : vector<16xi32>
      %add3A_663 = arith.constant -765416504 : i32
      %add3A_664 = vector.broadcast %add3A_663 : i32 to vector<16xi32>
      %add3A_665 = arith.addi %add3A_626, %add3A_664 : vector<16xi32>
      %add3A_666 = arith.constant -1944951119 : i32
      %add3A_667 = vector.broadcast %add3A_666 : i32 to vector<16xi32>
      %add3A_668 = arith.addi %xor3A_650, %add3A_667 : vector<16xi32>
      %xor3A_669 = arith.xori %add3A_653, %add3A_656 : vector<16xi32>
      %xor3A_670 = arith.xori %add3A_659, %add3A_662 : vector<16xi32>
      %xor3A_671 = arith.xori %add3A_665, %add3A_668 : vector<16xi32>
      %shift_right_logical3A_672 = arith.constant 9 : i32
      %shift_right_logical3A_673 = vector.broadcast %shift_right_logical3A_672 : i32 to vector<16xi32>
      %shift_right_logical3A_674 = arith.shrui %xor3A_669, %shift_right_logical3A_673 : vector<16xi32>
      %or3A_675 = arith.constant 1065353216 : i32
      %or3A_676 = vector.broadcast %or3A_675 : i32 to vector<16xi32>
      %or3A_677 = arith.ori %shift_right_logical3A_674, %or3A_676 : vector<16xi32>
      %bitcast_convert_type3A = tpu.bitcast %or3A_677 : vector<16xi32> -> vector<16xf32>
      %sub3A = arith.constant 1.000000e+00 : f32
      %sub3A_678 = vector.broadcast %sub3A : f32 to vector<16xf32>
      %sub3A_679 = arith.subf %bitcast_convert_type3A, %sub3A_678 : vector<16xf32>
      %jit3A = arith.constant 9 : i32
      %eq3A = arith.constant 0 : i32
      %eq3A_680 = arith.cmpi eq, %jit3A, %eq3A : i32
      %jit3A_681 = arith.constant 1 : i32
      %select_n3A = arith.select %eq3A_680, %jit3A_681, %jit3A : i32
      %rem3A = vector.broadcast %select_n3A : i32 to vector<16xi32>
      %rem3A_682 = arith.remui %xor3A_670, %rem3A : vector<16xi32>
      %ne3A = arith.constant 0 : i32
      %ne3A_683 = vector.broadcast %ne3A : i32 to vector<16xi32>
      %ne3A_684 = arith.cmpi ne, %rem3A_682, %ne3A_683 : vector<16xi32>
      %lt3A = arith.constant 0 : i32
      %lt3A_685 = vector.broadcast %lt3A : i32 to vector<16xi32>
      %lt3A_686 = arith.cmpi ult, %rem3A_682, %lt3A_685 : vector<16xi32>
      %lt3A_687 = arith.constant 0 : i32
      %lt3A_688 = arith.cmpi ult, %select_n3A, %lt3A_687 : i32
      %ne3A_689 = vector.broadcast %lt3A_688 : i1 to vector<16xi1>
      %ne3A_690 = vector.broadcast %ne3A_689 : vector<16xi1> to vector<16xi1>
      %ne3A_691 = arith.xori %lt3A_686, %ne3A_690 : vector<16xi1>
      %and3A = arith.andi %ne3A_691, %ne3A_684 : vector<16xi1>
      %add3A_692 = vector.broadcast %select_n3A : i32 to vector<16xi32>
      %add3A_693 = arith.addi %rem3A_682, %add3A_692 : vector<16xi32>
      %select_n3A_694 = arith.select %and3A, %add3A_693, %rem3A_682 : vector<16xi1>, vector<16xi32>
      %mul3A_695 = arith.constant 4 : i32
      %mul3A_696 = vector.broadcast %mul3A_695 : i32 to vector<16xi32>
      %mul3A_697 = arith.muli %select_n3A_694, %mul3A_696 : vector<16xi32>
      %jit3A_698 = arith.constant 9 : i32
      %eq3A_699 = arith.constant 0 : i32
      %eq3A_700 = arith.cmpi eq, %jit3A_698, %eq3A_699 : i32
      %jit3A_701 = arith.constant 1 : i32
      %select_n3A_702 = arith.select %eq3A_700, %jit3A_701, %jit3A_698 : i32
      %rem3A_703 = vector.broadcast %select_n3A_702 : i32 to vector<16xi32>
      %rem3A_704 = arith.remui %xor3A_671, %rem3A_703 : vector<16xi32>
      %ne3A_705 = arith.constant 0 : i32
      %ne3A_706 = vector.broadcast %ne3A_705 : i32 to vector<16xi32>
      %ne3A_707 = arith.cmpi ne, %rem3A_704, %ne3A_706 : vector<16xi32>
      %lt3A_708 = arith.constant 0 : i32
      %lt3A_709 = vector.broadcast %lt3A_708 : i32 to vector<16xi32>
      %lt3A_710 = arith.cmpi ult, %rem3A_704, %lt3A_709 : vector<16xi32>
      %lt3A_711 = arith.constant 0 : i32
      %lt3A_712 = arith.cmpi ult, %select_n3A_702, %lt3A_711 : i32
      %ne3A_713 = vector.broadcast %lt3A_712 : i1 to vector<16xi1>
      %ne3A_714 = vector.broadcast %ne3A_713 : vector<16xi1> to vector<16xi1>
      %ne3A_715 = arith.xori %lt3A_710, %ne3A_714 : vector<16xi1>
      %and3A_716 = arith.andi %ne3A_715, %ne3A_707 : vector<16xi1>
      %add3A_717 = vector.broadcast %select_n3A_702 : i32 to vector<16xi32>
      %add3A_718 = arith.addi %rem3A_704, %add3A_717 : vector<16xi32>
      %select_n3A_719 = arith.select %and3A_716, %add3A_718, %rem3A_704 : vector<16xi1>, vector<16xi32>
      %add3A_720 = arith.addi %mul3A_697, %select_n3A_719 : vector<16xi32>
      %jit3A_721 = arith.constant 9 : i32
      %eq3A_722 = arith.constant 0 : i32
      %eq3A_723 = arith.cmpi eq, %jit3A_721, %eq3A_722 : i32
      %jit3A_724 = arith.constant 1 : i32
      %select_n3A_725 = arith.select %eq3A_723, %jit3A_724, %jit3A_721 : i32
      %rem3A_726 = vector.broadcast %select_n3A_725 : i32 to vector<16xi32>
      %rem3A_727 = arith.remui %add3A_720, %rem3A_726 : vector<16xi32>
      %ne3A_728 = arith.constant 0 : i32
      %ne3A_729 = vector.broadcast %ne3A_728 : i32 to vector<16xi32>
      %ne3A_730 = arith.cmpi ne, %rem3A_727, %ne3A_729 : vector<16xi32>
      %lt3A_731 = arith.constant 0 : i32
      %lt3A_732 = vector.broadcast %lt3A_731 : i32 to vector<16xi32>
      %lt3A_733 = arith.cmpi ult, %rem3A_727, %lt3A_732 : vector<16xi32>
      %lt3A_734 = arith.constant 0 : i32
      %lt3A_735 = arith.cmpi ult, %select_n3A_725, %lt3A_734 : i32
      %ne3A_736 = vector.broadcast %lt3A_735 : i1 to vector<16xi1>
      %ne3A_737 = vector.broadcast %ne3A_736 : vector<16xi1> to vector<16xi1>
      %ne3A_738 = arith.xori %lt3A_733, %ne3A_737 : vector<16xi1>
      %and3A_739 = arith.andi %ne3A_738, %ne3A_730 : vector<16xi1>
      %add3A_740 = vector.broadcast %select_n3A_725 : i32 to vector<16xi32>
      %add3A_741 = arith.addi %rem3A_727, %add3A_740 : vector<16xi32>
      %select_n3A_742 = arith.select %and3A_739, %add3A_741, %rem3A_727 : vector<16xi1>, vector<16xi32>
      %ge3A = arith.cmpi sge, %select_n3A_742, %convert_element_type3A : vector<16xi32>
      %add3A_743 = arith.constant 1 : i32
      %add3A_744 = vector.broadcast %add3A_743 : i32 to vector<16xi32>
      %add3A_745 = arith.addi %select_n3A_742, %add3A_744 : vector<16xi32>
      %select_n3A_746 = arith.select %ge3A, %add3A_745, %select_n3A_742 : vector<16xi1>, vector<16xi32>
      %lt3A_747 = arith.constant 0 : i32
      %lt3A_748 = vector.broadcast %lt3A_747 : i32 to vector<16xi32>
      %lt3A_749 = arith.cmpi slt, %convert_element_type3A, %lt3A_748 : vector<16xi32>
      %add3A_750 = arith.constant 16 : i32
      %add3A_751 = vector.broadcast %add3A_750 : i32 to vector<16xi32>
      %add3A_752 = arith.addi %convert_element_type3A, %add3A_751 : vector<16xi32>
      %select_n3A_753 = arith.select %lt3A_749, %add3A_752, %convert_element_type3A : vector<16xi1>, vector<16xi32>
      %reshape3A = vector.shape_cast %select_n3A_753 : vector<16xi32> to vector<16x1xi32>
      %gather3A = vector.shape_cast %reshape3A : vector<16x1xi32> to vector<16xi32>
      %gather3A_754 = tpu.dynamic_gather %get3A_14[%gather3A] in [0] : vector<16xf32>, vector<16xi32> -> vector<16xf32>
      %gt3A = arith.cmpf ogt, %sub3A_679, %gather3A_754 : vector<16xf32>
      %convert_element_type3A_755 = arith.sitofp %select_n3A_746 : vector<16xi32> to vector<16xf32>
      %select_n3A_756 = arith.select %gt3A, %get3A_25, %convert_element_type3A_755 : vector<16xi1>, vector<16xf32>
      %swap3A = arith.index_cast %mul3A_22 : i32 to index
      %swap3A_757 = tpu.vector_load %arg7[%swap3A] {strides = array<i32>} : memref<512xf32, #tpu.memory_space<vmem>>, vector<16xf32>,
      %swap3A_758 = vector.shape_cast %swap3A_757 : vector<16xf32> to vector<16xf32>
      %swap3A_759 = vector.shape_cast %select_n3A_756 : vector<16xf32> to vector<16xf32>
      tpu.vector_store %arg7[%swap3A], %swap3A_759 {strides = array<i32>} : memref<512xf32, #tpu.memory_space<vmem>>, vector<16xf32>,
    }
    %scan3A_19 = arith.constant 32 : i32
    "tpu.region"() ({
      %run_scoped3A = tpu.sem_alloc : memref<!tpu.dma_semaphore, #tpu.memory_space<semaphore_mem>>
      %dma_start3A_20 = tpu.memref_slice %arg4[%mul3A_2] : memref<16384xf32, #tpu.memory_space<hbm>> -> memref<512xf32, #tpu.memory_space<hbm>>
      %dma_start3A_21 = tpu.memref_slice %arg4[%mul3A_2] : memref<16384xf32, #tpu.memory_space<hbm>> -> memref<512xf32, #tpu.memory_space<hbm>>
      tpu.enqueue_dma source(%arg7 : memref<512xf32, #tpu.memory_space<vmem>>) target(%dma_start3A_21 : memref<512xf32, #tpu.memory_space<hbm>>) target_semaphore(%run_scoped3A : memref<!tpu.dma_semaphore, #tpu.memory_space<semaphore_mem>>)
      %dma_wait3A_22 = tpu.memref_slice %arg4[%mul3A_2] : memref<16384xf32, #tpu.memory_space<hbm>> -> memref<512xf32, #tpu.memory_space<hbm>>
      %dma_wait3A_23 = tpu.memref_slice %arg4[%mul3A_2] : memref<16384xf32, #tpu.memory_space<hbm>> -> memref<512xf32, #tpu.memory_space<hbm>>
      tpu.wait_dma2 semaphore(%run_scoped3A : memref<!tpu.dma_semaphore, #tpu.memory_space<semaphore_mem>>) src(%arg7 : memref<512xf32, #tpu.memory_space<vmem>>) dst(%dma_wait3A_23 : memref<512xf32, #tpu.memory_space<hbm>>)
      tpu.yield
    }) : () -> ()
    return
  }
}

</mosaic_0001>

<sc_bundles>
// kernel: kernel.3.cloned.1.call-start
scs
__scs_entry_jumppad:
0x0: {  	(pc) =	sbr.rel $0x88, $3  }
0x1: {  	(tag) =	ssettag $0x0;
	lr =	simm.s32 $0x1  }
0x2: {  	[smem:$0x3F9F] =	sst lr;
	_ =	strace $0xD0000000  }
0x3: {  	_ = 	snop  }
0x4: {  	_ = 	snop  }
0x5: {  	_ = 	snop  }
0x6: {  	_ = 	snop  }
0x7: {  	_ = 	snop  }
__scs_overlays_trampoline_lowered:
0x8: {  	[smem:$0x3FAE] =	sst s0  }
0x9: {  	[smem:$0x3FAF] =	sst s1  }
0xa: {  	[smem:$0x3FB0] =	sst s2  }
0xb: {  	[smem:$0x3FB1] =	sst s3  }
0xc: {  	[smem:$0x3FB2] =	sst s4  }
0xd: {  	[smem:$0x3FB3] =	sst s5  }
0xe: {  	[smem:$0x3FB4] =	sst s6  }
0xf: {  	[smem:$0x3FB5] =	sst s7  }
0x10: {  	[smem:$0x3FB6] =	sst s8  }
0x11: {  	[smem:$0x3FB7] =	sst s9;
	s0 =	simm.s32 @!p0 $0x0  }
0x12: {  	s1 =	sld [smem:$0x3F9D];
	s0 =	simm.s32 @p0 $0x1  }
0x13: {  	[smem:$0x3FB8] =	sst s0;
	s0 =	simm.s32 @!p1 $0x0  }
0x14: {  	s2 =	sld [smem:$0x3F9C];
	s0 =	simm.s32 @p1 $0x1  }
0x15: {  	[smem:$0x3FB9] =	sst s0;
	s0 =	simm.s32 @!p2 $0x0  }
0x16: {  	s3 =	sld [smem:$0x3FDB];
	s0 =	simm.s32 @p2 $0x1  }
0x17: {  	s4 =	simm.s32 $0x1BF5;
	[smem:$0x3FBB] =	sst s0  }
0x18: {  	s0 =	sld [smem:$0x3F9E];
	_ =	swait.ge [sflag:s4], $0x0  }
0x19: {  	s7 =	sld [smem:$0x3F9F]  }
0x1a: {  	s8 =	sadd.s32 $0xFFFFE003, lr  }
0x1b: {  	s9 =	sadd.s32 $0xFFFFFEF7, lr;
	s5 =	simm.s32 $0xFFFFFFFF;
	p2 =	slt.u32 s8, $0xFFFFF086  }
0x1c: {  	p1 =	slt.u32 s9, $0xF7A;
	s5 =	simm.s32 @!p2 $0x0  }
0x1d: {  	s5 =	simm.s32 @p1 $0x1;
	p0 =	seq.s32 s7, s2  }
0x1e: {  	s7 =	smul.u32 @!p0 $0xF7A, s2;
	p2 =	seq.s32 @!p0 s5, $0x0  }
0x1f: {  	s9 =	smul.u32 $0xF7A, s1;
	s8 =	simm.s32 @!p0 $0x1BF5;
	p2 =	por !p2, p0  }
0x20: {  	[sflag:s8] =	ssyncset.s32 @!p0 $0xFFFFF086;
	s6 =	sadd.s32 @!p0 s3, s7;
	s7 =	simm.s32 @!p0 $0x108  }
0x21: {  	s3 =	sadd.s32 s3, s9;
	s6 =	sadd.s32 @!p0 $0x88, s6;
	s7 =	simm.s32 @p2 $0x1082  }
0x22: {  	[simem:s7], [sflag:s8] =	dma.local @!p0 [hbm:s6], $0xF7A  }
0x23: {  	s9 =	sor.u32 $0xD0000000, s2;
	s6 =	simm.s32 $0x108;
	_ =	swait.ge @!p0 [sflag:s8], $0x0  }
0x24: {  	s3 =	sadd.s32 $0x88, s3;
	s6 =	simm.s32 @!p1 $0x1082;
	[sflag:s4] =	ssyncset.s32 $0xFFFFF086  }
0x25: {  	[simem:s6], [sflag:s4] =	dma.local [hbm:s3], $0xF7A  }
0x26: {  	[smem:$0x3F9F] =	sst s1;
	(tag) =	ssettag s2;
	_ =	strace s9  }
0x27: {  	s1 =	sld [smem:$0x3FAF]  }
0x28: {  	s2 =	sld [smem:$0x3FB0]  }
0x29: {  	s4 =	sld [smem:$0x3FB2]  }
0x2a: {  	p0 =	seq.s32 s5, $0x0;
	s5 =	sld [smem:$0x3FB3]  }
0x2b: {  	s6 =	sld [smem:$0x3FB4]  }
0x2c: {  	s7 =	sld [smem:$0x3FB5]  }
0x2d: {  	s3 =	simm.s32 $0x108;
	s8 =	sld [smem:$0x3FB6]  }
0x2e: {  	s3 =	simm.s32 @!p0 $0x1082;
	s9 =	sld [smem:$0x3FB7]  }
0x2f: {  	lr =	sadd.s32 s0, s3;
	s0 =	sld [smem:$0x3FAE]  }
0x30: {  	s3 =	sld [smem:$0x3FB1]  }
0x31: {  	[smem:$0x3FBA] =	sst s10  }
0x32: {  	s10 =	sld [smem:$0x3FB8];
	_ =	sdelay $0x3  }
0x33: {  	p0 =	seq.s32 s10, $0x1;
	s10 =	sld [smem:$0x3FBA];
	_ =	sdelay $0x3  }
0x34: {  	[smem:$0x3FBA] =	sst s10  }
0x35: {  	s10 =	sld [smem:$0x3FB9];
	_ =	sdelay $0x3  }
0x36: {  	p1 =	seq.s32 s10, $0x1;
	s10 =	sld [smem:$0x3FBA];
	_ =	sdelay $0x3  }
0x37: {  	[smem:$0x3FBA] =	sst s10  }
0x38: {  	s10 =	sld [smem:$0x3FBB]  }
0x39: {  	_ = 	snop;
	(pc) =	sbr.ind lr, $3  }
0x3a: {  	_ = 	snop  }
0x3b: {  	_ = 	snop  }
0x3c: {  	p2 =	seq.s32 s10, $0x1;
	s10 =	sld [smem:$0x3FBA]  }
0x3d: {  	_ =	shalt  }
0x3e: {  	_ =	shalt  }
0x3f: {  	_ =	shalt  }
0x40: {  	_ =	shalt  }
0x41: {  	_ =	shalt  }
0x42: {  	_ =	shalt  }
0x43: {  	_ =	shalt  }
0x44: {  	_ =	shalt  }
0x45: {  	_ =	shalt  }
0x46: {  	_ =	shalt  }
0x47: {  	_ =	shalt  }
0x48: {  	_ =	shalt  }
0x49: {  	_ =	shalt  }
0x4a: {  	_ =	shalt  }
0x4b: {  	_ =	shalt  }
0x4c: {  	_ =	shalt  }
0x4d: {  	_ =	shalt  }
0x4e: {  	_ =	shalt  }
0x4f: {  	_ =	shalt  }
0x50: {  	_ =	shalt  }
0x51: {  	_ =	shalt  }
0x52: {  	_ =	shalt  }
0x53: {  	_ =	shalt  }
0x54: {  	_ =	shalt  }
0x55: {  	_ =	shalt  }
0x56: {  	_ =	shalt  }
0x57: {  	_ =	shalt  }
0x58: {  	_ =	shalt  }
0x59: {  	_ =	shalt  }
0x5a: {  	_ =	shalt  }
0x5b: {  	_ =	shalt  }
0x5c: {  	_ =	shalt  }
0x5d: {  	_ =	shalt  }
0x5e: {  	_ =	shalt  }
0x5f: {  	_ =	shalt  }
0x60: {  	_ =	shalt  }
0x61: {  	_ =	shalt  }
0x62: {  	_ =	shalt  }
0x63: {  	_ =	shalt  }
0x64: {  	_ =	shalt  }
0x65: {  	_ =	shalt  }
0x66: {  	_ =	shalt  }
0x67: {  	_ =	shalt  }
0x68: {  	_ =	shalt  }
0x69: {  	_ =	shalt  }
0x6a: {  	_ =	shalt  }
0x6b: {  	_ =	shalt  }
0x6c: {  	_ =	shalt  }
0x6d: {  	_ =	shalt  }
0x6e: {  	_ =	shalt  }
0x6f: {  	_ =	shalt  }
0x70: {  	_ =	shalt  }
0x71: {  	_ =	shalt  }
0x72: {  	_ =	shalt  }
0x73: {  	_ =	shalt  }
0x74: {  	_ =	shalt  }
0x75: {  	_ =	shalt  }
0x76: {  	_ =	shalt  }
0x77: {  	_ =	shalt  }
0x78: {  	_ =	shalt  }
0x79: {  	_ =	shalt  }
0x7a: {  	_ =	shalt  }
0x7b: {  	_ =	shalt  }
0x7c: {  	_ =	shalt  }
0x7d: {  	_ =	shalt  }
0x7e: {  	_ =	shalt  }
0x7f: {  	_ =	shalt  }
0x80: {  	_ =	shalt  }
0x81: {  	_ =	shalt  }
0x82: {  	_ =	shalt  }
0x83: {  	_ =	shalt  }
0x84: {  	_ =	shalt  }
0x85: {  	_ =	shalt  }
0x86: {  	_ =	shalt  }
0x87: {  	_ =	shalt  }
.Lfunc_end0:
.L_simem_size_0:
called_computation_lowered:
.L_overlay_start_0:
0x88: {  	s2 =	sld [smem:$0x3FD9]  }
0x89: {  	s3 =	sld [smem:$0x3FFE];
	_ =	sdelay $0x1  }
0x8a: {  	s1 =	srdreg.scid  }
0x8b: {  	s0 =	sand.u32 $0x1, s1  }
0x8c: {  	s18 =	sshll.u32 s0, $0xA;
	s2 =	sadd.s32 s3, s2  }
0x8d: {  	s2 =	sadd.s32 s2, s18  }
0x8e: {  	[smem:$0x3FC6] =	sst s2  }
0x8f: {  	_ = 	snop  }
0x90: {  	s2 =	sld [smem:$0x3FC9]  }
0x91: {  	s19 =	sld [smem:$0x3FC8]  }
0x92: {  	s4 =	sld [smem:$0x3FD0];
	(tm) =	ssettm $0x1  }
0x93: {  	s5 =	sld [smem:$0x3FFB];
	_ =	sdelay $0x3  }
0x94: {  	_ =	strace s5  }
0x95: {  	s5 =	sld [smem:$0x3FFC];
	_ =	sdelay $0x3  }
0x96: {  	_ =	strace s5  }
0x97: {  	s5 =	sld [smem:$0x3FFD];
	_ =	sdelay $0x3  }
0x98: {  	_ =	strace s5  }
0x99: {  	_ =	strace $0x8FFFFFFF  }
0x9a: {  	s20 =	sld [smem:$0x3FDB];
	_ =	sdelay $0x1  }
0x9b: {  	s6 =	simm.s32 $_scs_section_size  }
0x9c: {  	s7 =	simm.s32 $_size__tile_overlayer_lowered;
	s8 =	simm.s32 $_tile_overlayer_lowered  }
0x9d: {  	s23 =	simm.s32 $0x1BFF;
	s22 =	sshll.u32 s8, $0x1;
	s5 =	sadd.s32 s6, s20  }
0x9e: {  	s9 =	simm.s32 $0x0;
	s21 =	sshll.u32 s7, $0x1;
	s7 =	sadd.s32 s22, s5  }
0x9f: {  	[timem:s9], [sflag:s23] =	dma.local [hbm:s7], s21  }
0xa0: {  	_ =	swait.ge [sflag:s23], s21  }
0xa1: {  	s6 =	ssub.s32 $0x0, s21;
	[sflag:s23] =	ssyncset.done $0x0  }
0xa2: {  	[sflag:s23] =	ssyncadd.s32 s6;
	_ =	sdelay $0x1  }
0xa3: {  	s24 =	simm.s32 $0x1B8B  }
0xa4: {  	_ =	swait.ge [sflag:s24], $0x1  }
0xa5: {  	[sflag:s24] =	ssyncset.done $0x0  }
0xa6: {  	s25 =	simm.s32 $0x1B8E;
	[sflag:s24] =	ssyncadd.s32 $0xFFFFFFFF  }
0xa7: {  	s26 =	simm.s32 $execute0_lowered;
	[smem:$0x3FD2] =	sst s25  }
0xa8: {  	s6 =	sshll.u32 s26, $0x1;
	_ =	strace $0x80000046;
	[dreg:$0x1] =	wrdreg $0xFFFFFFFF  }
0xa9: {  	s28 =	simm.s32 $_size_execute0_lowered;
	s5 =	sadd.s32 s5, s6;
	[dreg:$0x0] =	wrdreg $0x0  }
0xaa: {  	s6 =	sshll.u32 s28, $0x1;
	[dreg:$0x2] =	wrdreg s5  }
0xab: {  	[dreg:$0x3] =	wrdreg s6  }
0xac: {  	[dreg:$0x4] =	wrdreg $0xC0  }
0xad: {  	_ =	task [dreg:s9], $0x5FFFF  }
0xae: {  	[dreg:$0x1] =	wrdreg $0xFFFFFFFF  }
0xaf: {  	[dreg:$0x0] =	wrdreg $0x60  }
0xb0: {  	[dreg:$0x2] =	wrdreg s2  }
0xb1: {  	[dreg:$0x3] =	wrdreg s19  }
0xb2: {  	[dreg:$0x4] =	wrdreg s4  }
0xb3: {  	[dreg:$0x5] =	wrdreg $0x9  }
0xb4: {  	_ =	task.clear_ibuf [dreg:s9], $0x6FFFF;
	_ =	strace $0x90000046  }
0xb5: {  	s29 =	simm.s32 $0x9;
	_ =	strace $0x80000048  }
0xb6: {  	_ =	swait.ge [sflag:s29], $0x1  }
0xb7: {  	[sflag:s29] =	ssyncadd.s32 $0xFFFFFFFF  }
0xb8: {  	_ =	strace $0x90000048  }
0xb9: {  	_ =	sfence  }
0xba: {  	s30 =	sld [smem:$0x0];
	_ =	sdelay $0x2  }
0xbb: {  	s31 =	sshll.u32 s1, $0xD;
	s1 =	sshrl.u32 s1, $0x2  }
0xbc: {  	s3 =	sand.u32 $0x4000, s31;
	s1 =	sadd.s32 s1, s30  }
0xbd: {  	s0 =	sor.u32 s3, s0;
	s1 =	sshll.u32 s1, $0x11  }
0xbe: {  	s0 =	sor.u32 s1, s0  }
0xbf: {  	s0 =	sadd.s32 $0x8F2B, s0  }
0xc0: {  	[sflag:s0] =	ssyncadd.remote.s32 $0x1  }
0xc1: {  	_ =	sfence.sel $0xFFFF  }
0xc2: {  	[dreg:$0x0] =	wrdreg $0xFFFFFFFF;
	(pc) =	sbr.abs _section_cstart, $3  }
0xc3: {  	[dreg:$0x1] =	wrdreg $0xFFFFFFFF  }
0xc4: {  	_ =	task.clear_ibuf [dreg:s9], $0x2FFFF;
	_ =	strace $0x9FFFFFFF  }
0xc5: {  	(tm) =	ssettm $0x7FFFFFFF  }
tec
execute0_lowered:
.L_overlay_start_1:
0x0: {  	(tag) =	ssettag $0x1  }
0x1: {  	s5 =	rddreg [dreg:$0x0]  }
0x2: {  	s1 =	rddreg [dreg:$0x1]  }
0x3: {  	s6 =	rddreg [dreg:$0x2]  }
0x4: {  	s0 =	rddreg [dreg:$0x3];
	s4 =	srdreg.scid  }
0x5: {  	s3 =	simm.s32 $0x0;
	s2 =	stileid.u32;
	s10 =	simm.s32 $0x2  }
0x6: {  	s11 =	simm.s32 $0x280;
	s12 =	simm.s32 $0x3;
	s4 =	sand.u32 $0x1, s4  }
0x7: {  	s13 =	simm.s32 $0x0;
	s8 =	sshll.u32 s2, $0xA;
	s7 =	ssub.s32 $0x2, s4  }
0x8: {  	v5 =	vlaneseq.u32;
	[smem:$0x7FF] =	sst s3;
	s4 =	sshll.u32 s4, $0x9;
	s9 =	sshrl.u32 s7, $0x1  }
0x9: {  	v0 =	vadd.s32 $0x1022172D, v5;
	_ =	strace $0x80000047;
	s4 =	sor.u32 s4, s8;
	s30 =	ssub.s32 s7, s9  }
0xa: {  	v6 =	vimm.s32 $0x0;
	v1 =	vadd.s32 $0x7B3B635, v5;
	v2 =	vadd.s32 $0x45A3D6BE, v5;
	s31 =	sshrl.u32 s4, $0x3;
	s7 =	simm.s32 $0x200;
	s9 =	simm.s32 $0x1  }
0xb: {  	v3 =	vadd.s32 $0x7D601BBC, v5;
	v4 =	vadd.s32 $0xC5AF3926, v5;
	v5 =	vadd.s32 $0xD1B63D6A, v5;
	s5 =	sadd.s32 s5, s31;
	s6 =	sadd.s32 s6, s31;
	s8 =	smax.u32 s30, $0x1  }
.LBB2_1:
0xc: {  	v7 =	vadd.s32 s4, v3  }
0xd: {  	v8 =	vadd.s32 s4, v0;
	v9 =	vadd.s32 s4, v5;
	v10 =	vadd.s32 s4, v4  }
0xe: {  	v11 =	vadd.s32 s4, v2;
	v12 =	vadd.s32 s4, v1;
	v13 =	vshrl.u32 v8, $0x13  }
0xf: {  	v8 =	vshll.u32 v8, $0xD;
	v14 =	vshrl.u32 v11, $0x13;
	v15 =	vshrl.u32 v12, $0x13  }
0x10: {  	v11 =	vshll.u32 v11, $0xD;
	v12 =	vshll.u32 v12, $0xD;
	v8 =	vor.u32 v13, v8  }
0x11: {  	v12 =	vor.u32 v15, v12;
	v11 =	vor.u32 v14, v11;
	v8 =	vxor.u32 v7, v8  }
0x12: {  	v12 =	vxor.u32 v10, v12;
	v11 =	vxor.u32 v9, v11;
	v7 =	vadd.s32 v7, v8  }
0x13: {  	v9 =	vadd.s32 v9, v11;
	v13 =	vshrl.u32 v8, $0x11;
	v8 =	vshll.u32 v8, $0xF  }
0x14: {  	v10 =	vadd.s32 v10, v12;
	v14 =	vshrl.u32 v11, $0x11;
	v11 =	vshll.u32 v11, $0xF  }
0x15: {  	v8 =	vor.u32 v13, v8;
	v13 =	vshrl.u32 v12, $0x11;
	v12 =	vshll.u32 v12, $0xF  }
0x16: {  	v11 =	vor.u32 v14, v11;
	v8 =	vxor.u32 v7, v8;
	v12 =	vor.u32 v13, v12  }
0x17: {  	v11 =	vxor.u32 v9, v11;
	v12 =	vxor.u32 v10, v12;
	v7 =	vadd.s32 v7, v8  }
0x18: {  	v9 =	vadd.s32 v9, v11;
	v13 =	vshrl.u32 v8, $0x6;
	v8 =	vshll.u32 v8, $0x1A  }
0x19: {  	v14 =	vshrl.u32 v11, $0x6;
	v11 =	vshll.u32 v11, $0x1A;
	v10 =	vadd.s32 v10, v12  }
0x1a: {  	v8 =	vor.u32 v13, v8;
	v13 =	vshrl.u32 v12, $0x6;
	v12 =	vshll.u32 v12, $0x1A  }
0x1b: {  	v11 =	vor.u32 v14, v11;
	v8 =	vxor.u32 v7, v8;
	v12 =	vor.u32 v13, v12  }
0x1c: {  	v11 =	vxor.u32 v9, v11;
	v12 =	vxor.u32 v10, v12;
	v7 =	vadd.s32 v7, v8  }
0x1d: {  	v9 =	vadd.s32 v9, v11;
	v13 =	vshrl.u32 v8, $0x1A;
	v8 =	vshll.u32 v8, $0x6  }
0x1e: {  	v14 =	vshrl.u32 v11, $0x1A;
	v11 =	vshll.u32 v11, $0x6;
	v10 =	vadd.s32 v10, v12  }
0x1f: {  	v8 =	vor.u32 v13, v8;
	v13 =	vshrl.u32 v12, $0x1A;
	v12 =	vshll.u32 v12, $0x6  }
0x20: {  	v11 =	vor.u32 v14, v11;
	v8 =	vxor.u32 v7, v8;
	v12 =	vor.u32 v13, v12  }
0x21: {  	v11 =	vxor.u32 v9, v11;
	v12 =	vxor.u32 v10, v12;
	v8 =	vadd.s32 $0x66CD0879, v8  }
0x22: {  	v11 =	vadd.s32 $0xD260ABC9, v11;
	v7 =	vadd.s32 v8, v7;
	v12 =	vadd.s32 $0xA1992F1F, v12  }
0x23: {  	v9 =	vadd.s32 v11, v9;
	v13 =	vshrl.u32 v8, $0xF;
	v8 =	vshll.u32 v8, $0x11  }
0x24: {  	v14 =	vshrl.u32 v11, $0xF;
	v11 =	vshll.u32 v11, $0x11;
	v10 =	vadd.s32 v12, v10  }
0x25: {  	v7 =	vadd.s32 $0x1022172D, v7;
	v15 =	vshrl.u32 v12, $0xF;
	v12 =	vshll.u32 v12, $0x11  }
0x26: {  	v9 =	vadd.s32 $0x45A3D6BE, v9;
	v8 =	vor.u32 v13, v8;
	v11 =	vor.u32 v14, v11  }
0x27: {  	v10 =	vadd.s32 $0x7B3B635, v10;
	v8 =	vxor.u32 v7, v8;
	v12 =	vor.u32 v15, v12  }
0x28: {  	v11 =	vxor.u32 v9, v11;
	v12 =	vxor.u32 v10, v12;
	v7 =	vadd.s32 v7, v8  }
0x29: {  	v9 =	vadd.s32 v9, v11;
	v13 =	vshrl.u32 v8, $0x3;
	v8 =	vshll.u32 v8, $0x1D  }
0x2a: {  	[tilespmem:s3], [sflag:$0x1] =	stream.linear.gather [hbm4b:s5+s3], $0x200, $0x38;
	v14 =	vshrl.u32 v11, $0x3;
	v11 =	vshll.u32 v11, $0x1D;
	v10 =	vadd.s32 v10, v12;
	[tilespmem:$0x480] =	vst v63  }
0x2b: {  	v8 =	vor.u32 v13, v8;
	v13 =	vshrl.u32 v12, $0x3;
	v12 =	vshll.u32 v12, $0x1D  }
0x2c: {  	[tilespmem:s7], [sflag:$0x2] =	stream.linear.gather [hbm4b:s1+s3], $0xA, $0x38;
	v11 =	vor.u32 v14, v11;
	v8 =	vxor.u32 v7, v8;
	v12 =	vor.u32 v13, v12;
	[tilespmem:$0x480] =	vst v63  }
0x2d: {  	_ =	swait.ge [sflag:s9], $0x200;
	v11 =	vxor.u32 v9, v11;
	v12 =	vxor.u32 v10, v12;
	v7 =	vadd.s32 v7, v8  }
0x2e: {  	[sflag:s9] =	ssyncset.done $0x0;
	v13 =	vadd.s32 v9, v11;
	v14 =	vshrl.u32 v8, $0x10;
	v8 =	vshll.u32 v8, $0x10  }
0x2f: {  	[sflag:s9] =	ssyncadd.s32 $0xFFFFFE00;
	v9 =	vadd.s32 v10, v12;
	v10 =	vshrl.u32 v11, $0x10;
	v11 =	vshll.u32 v11, $0x10  }
0x30: {  	_ =	swait.ge [sflag:s10], $0xA;
	v8 =	vor.u32 v14, v8;
	v14 =	vshrl.u32 v12, $0x10;
	v12 =	vshll.u32 v12, $0x10  }
0x31: {  	[sflag:s10] =	ssyncset.done $0x0;
	v15 =	vxor.u32 v7, v8;
	v8 =	vor.u32 v14, v12;
	v10 =	vor.u32 v10, v11  }
0x32: {  	[sflag:s10] =	ssyncadd.s32 $0xFFFFFFF6;
	v11 =	vxor.u32 v9, v8;
	v12 =	vxor.u32 v13, v10;
	v10 =	vadd.s32 v7, v15  }
0x33: {  	s15 =	simm.s32 $0x40;
	s16 =	smov.u32 s4;
	s14 =	simm.s32 $0x0;
	v7 =	vld [tilespmem:$0x200];
	v14 =	vshll.u32 v15, $0x18;
	v8 =	vadd.s32 v13, v12;
	v13 =	vshrl.u32 v15, $0x8  }
.LBB2_2:
0x34: {  	p0 =	sne.s32 s15, $0x7C0;
	v9 =	vadd.s32 v9, v11;
	v15 =	vshrl.u32 v12, $0x8;
	v12 =	vshll.u32 v12, $0x18  }
0x35: {  	v13 =	vor.u32 v13, v14;
	v14 =	vshrl.u32 v11, $0x8;
	v11 =	vshll.u32 v11, $0x18  }
0x36: {  	v13 =	vxor.u32 v10, v13;
	v11 =	vor.u32 v14, v11;
	v12 =	vor.u32 v15, v12  }
0x37: {  	v11 =	vxor.u32 v9, v11;
	v12 =	vxor.u32 v8, v12;
	v13 =	vadd.s32 $0x6D3E0491, v13  }
0x38: {  	v10 =	vadd.s32 v13, v10;
	v11 =	vadd.s32 $0xBDFB82F3, v11;
	v12 =	vadd.s32 $0x8C1266AE, v12  }
0x39: {  	v14 =	vshrl.u32 v13, $0x13;
	v13 =	vshll.u32 v13, $0xD;
	v8 =	vadd.s32 v12, v8  }
0x3a: {  	v9 =	vadd.s32 v11, v9;
	v15 =	vshrl.u32 v12, $0x13;
	v12 =	vshll.u32 v12, $0xD  }
0x3b: {  	v10 =	vadd.s32 $0x66CD0878, v10;
	v16 =	vshrl.u32 v11, $0x13;
	v11 =	vshll.u32 v11, $0xD  }
0x3c: {  	v13 =	vor.u32 v14, v13;
	v8 =	vadd.s32 $0xD260ABC8, v8;
	v12 =	vor.u32 v15, v12  }
0x3d: {  	v9 =	vadd.s32 $0xA1992F1E, v9;
	v13 =	vxor.u32 v10, v13;
	v11 =	vor.u32 v16, v11  }
0x3e: {  	v11 =	vxor.u32 v9, v11;
	v12 =	vxor.u32 v8, v12;
	v10 =	vadd.s32 v10, v13  }
0x3f: {  	v14 =	vshrl.u32 v13, $0x11;
	v13 =	vshll.u32 v13, $0xF;
	v8 =	vadd.s32 v8, v12  }
0x40: {  	v9 =	vadd.s32 v9, v11;
	v15 =	vshrl.u32 v12, $0x11;
	v12 =	vshll.u32 v12, $0xF  }
0x41: {  	v13 =	vor.u32 v14, v13;
	v14 =	vshrl.u32 v11, $0x11;
	v11 =	vshll.u32 v11, $0xF  }
0x42: {  	v13 =	vxor.u32 v10, v13;
	v11 =	vor.u32 v14, v11;
	v12 =	vor.u32 v15, v12  }
0x43: {  	v11 =	vxor.u32 v9, v11;
	v12 =	vxor.u32 v8, v12;
	v10 =	vadd.s32 v10, v13  }
0x44: {  	v14 =	vshrl.u32 v13, $0x6;
	v13 =	vshll.u32 v13, $0x1A;
	v8 =	vadd.s32 v8, v12  }
0x45: {  	v9 =	vadd.s32 v9, v11;
	v15 =	vshrl.u32 v12, $0x6;
	v12 =	vshll.u32 v12, $0x1A  }
0x46: {  	v13 =	vor.u32 v14, v13;
	v14 =	vshrl.u32 v11, $0x6;
	v11 =	vshll.u32 v11, $0x1A  }
0x47: {  	v13 =	vxor.u32 v10, v13;
	v11 =	vor.u32 v14, v11;
	v12 =	vor.u32 v15, v12  }
0x48: {  	v11 =	vxor.u32 v9, v11;
	v12 =	vxor.u32 v8, v12;
	v10 =	vadd.s32 v10, v13  }
0x49: {  	v14 =	vshrl.u32 v13, $0x1A;
	v13 =	vshll.u32 v13, $0x6;
	v8 =	vadd.s32 v8, v12  }
0x4a: {  	v9 =	vadd.s32 v9, v11;
	v15 =	vshrl.u32 v12, $0x1A;
	v12 =	vshll.u32 v12, $0x6  }
0x4b: {  	v13 =	vor.u32 v14, v13;
	v14 =	vshrl.u32 v11, $0x1A;
	v11 =	vshll.u32 v11, $0x6  }
0x4c: {  	v13 =	vxor.u32 v10, v13;
	v11 =	vor.u32 v14, v11;
	v12 =	vor.u32 v15, v12  }
0x4d: {  	v11 =	vxor.u32 v9, v11;
	v12 =	vxor.u32 v8, v12;
	v13 =	vadd.s32 $0x10221730, v13  }
0x4e: {  	v10 =	vadd.s32 v13, v10;
	v11 =	vadd.s32 $0x7B3B638, v11;
	v12 =	vadd.s32 $0x45A3D6C1, v12  }
0x4f: {  	v14 =	vshrl.u32 v13, $0xF;
	v13 =	vshll.u32 v13, $0x11;
	v8 =	vadd.s32 v12, v8  }
0x50: {  	v9 =	vadd.s32 v11, v9;
	v15 =	vshrl.u32 v12, $0xF;
	v12 =	vshll.u32 v12, $0x11  }
0x51: {  	v10 =	vadd.s32 $0x6D3E048F, v10;
	v16 =	vshrl.u32 v11, $0xF;
	v11 =	vshll.u32 v11, $0x11  }
0x52: {  	v13 =	vor.u32 v14, v13;
	v8 =	vadd.s32 $0x8C1266AC, v8;
	v12 =	vor.u32 v15, v12  }
0x53: {  	v9 =	vadd.s32 $0xBDFB82F1, v9;
	v13 =	vxor.u32 v10, v13;
	v11 =	vor.u32 v16, v11  }
0x54: {  	v11 =	vxor.u32 v9, v11;
	v12 =	vxor.u32 v8, v12;
	v10 =	vadd.s32 v10, v13  }
0x55: {  	v14 =	vshrl.u32 v13, $0x3;
	v13 =	vshll.u32 v13, $0x1D;
	v8 =	vadd.s32 v8, v12  }
0x56: {  	v9 =	vadd.s32 v9, v11;
	v15 =	vshrl.u32 v12, $0x3;
	v12 =	vshll.u32 v12, $0x1D  }
0x57: {  	v13 =	vor.u32 v14, v13;
	v14 =	vshrl.u32 v11, $0x3;
	v11 =	vshll.u32 v11, $0x1D  }
0x58: {  	v13 =	vxor.u32 v10, v13;
	v11 =	vor.u32 v14, v11;
	v12 =	vor.u32 v15, v12  }
0x59: {  	v11 =	vxor.u32 v9, v11;
	v12 =	vxor.u32 v8, v12;
	v10 =	vadd.s32 v10, v13  }
0x5a: {  	v14 =	vshrl.u32 v13, $0x10;
	v13 =	vshll.u32 v13, $0x10;
	v8 =	vadd.s32 v8, v12  }
0x5b: {  	v9 =	vadd.s32 v9, v11;
	v15 =	vshrl.u32 v12, $0x10;
	v12 =	vshll.u32 v12, $0x10  }
0x5c: {  	v13 =	vor.u32 v14, v13;
	v14 =	vshrl.u32 v11, $0x10;
	v11 =	vshll.u32 v11, $0x10  }
0x5d: {  	v13 =	vxor.u32 v10, v13;
	v11 =	vor.u32 v14, v11;
	v12 =	vor.u32 v15, v12  }
0x5e: {  	v11 =	vxor.u32 v9, v11;
	v12 =	vxor.u32 v8, v12;
	v10 =	vadd.s32 v10, v13  }
0x5f: {  	v14 =	vshrl.u32 v13, $0x8;
	v13 =	vshll.u32 v13, $0x18;
	v8 =	vadd.s32 v8, v12  }
0x60: {  	v9 =	vadd.s32 v9, v11;
	v15 =	vshrl.u32 v12, $0x8;
	v12 =	vshll.u32 v12, $0x18  }
0x61: {  	v13 =	vor.u32 v14, v13;
	v14 =	vshrl.u32 v11, $0x8;
	v11 =	vshll.u32 v11, $0x18  }
0x62: {  	v13 =	vxor.u32 v10, v13;
	v11 =	vor.u32 v14, v11;
	v12 =	vor.u32 v15, v12  }
0x63: {  	v11 =	vxor.u32 v9, v11;
	v12 =	vxor.u32 v8, v12;
	v13 =	vadd.s32 $0x66CD087C, v13  }
0x64: {  	v10 =	vadd.s32 v13, v10;
	v11 =	vadd.s32 $0xA1992F22, v11;
	v12 =	vadd.s32 $0xD260ABCC, v12  }
0x65: {  	v14 =	vshrl.u32 v13, $0x13;
	v13 =	vshll.u32 v13, $0xD;
	v8 =	vadd.s32 v12, v8  }
0x66: {  	v9 =	vadd.s32 v11, v9;
	v15 =	vshrl.u32 v12, $0x13;
	v12 =	vshll.u32 v12, $0xD  }
0x67: {  	v16 =	vshrl.u32 v11, $0x13;
	v11 =	vshll.u32 v11, $0xD;
	v8 =	vadd.s32 $0x45A3D6BE, v8  }
0x68: {  	v9 =	vadd.s32 $0x7B3B635, v9;
	v11 =	vor.u32 v16, v11;
	v12 =	vor.u32 v15, v12  }
0x69: {  	v10 =	vadd.s32 $0x1022172D, v10;
	v11 =	vxor.u32 v9, v11;
	v12 =	vxor.u32 v8, v12  }
0x6a: {  	v8 =	vadd.s32 v8, v12;
	v15 =	vshrl.u32 v12, $0x11;
	v12 =	vshll.u32 v12, $0xF  }
0x6b: {  	v16 =	vshrl.u32 v11, $0x11;
	v17 =	vshll.u32 v11, $0xF;
	v12 =	vor.u32 v15, v12  }
0x6c: {  	v9 =	vadd.s32 v9, v11;
	v11 =	vor.u32 v16, v17;
	v12 =	vxor.u32 v8, v12  }
0x6d: {  	v11 =	vxor.u32 v9, v11;
	v8 =	vadd.s32 v8, v12;
	v15 =	vshrl.u32 v12, $0x6  }
0x6e: {  	v16 =	vshrl.u32 v11, $0x6;
	v17 =	vshll.u32 v11, $0x1A;
	v12 =	vshll.u32 v12, $0x1A  }
0x6f: {  	v9 =	vadd.s32 v9, v11;
	v11 =	vor.u32 v16, v17;
	v12 =	vor.u32 v15, v12  }
0x70: {  	v13 =	vor.u32 v14, v13;
	v11 =	vxor.u32 v9, v11;
	v12 =	vxor.u32 v8, v12  }
0x71: {  	v9 =	vadd.s32 v9, v11;
	v14 =	vshrl.u32 v11, $0x1A;
	v11 =	vshll.u32 v11, $0x6  }
0x72: {  	v15 =	vshll.u32 v12, $0x6;
	v11 =	vor.u32 v14, v11;
	v14 =	vshrl.u32 v12, $0x1A  }
0x73: {  	v8 =	vadd.s32 v8, v12;
	v11 =	vxor.u32 v9, v11;
	v12 =	vor.u32 v14, v15  }
0x74: {  	v9 =	vadd.s32 $0xA1992F1E, v9;
	v12 =	vxor.u32 v8, v12;
	v11 =	vadd.s32 $0xBDFB82F6, v11  }
0x75: {  	v8 =	vadd.s32 $0xD260ABC8, v8;
	v12 =	vadd.s32 $0x8C1266B1, v12;
	v9 =	vxor.u32 v9, v11  }
0x76: {  	v11 =	vxor.u32 v10, v13;
	v8 =	vxor.u32 v8, v12;
	v12 =	vmulhi.u32 $0x38E38E39, v9  }
0x77: {  	v10 =	vadd.s32 v10, v11;
	v13 =	vmulhi.u32 $0x38E38E39, v8  }
0x78: {  	v14 =	vshrl.u32 v11, $0x11;
	v11 =	vshll.u32 v11, $0xF;
	v12 =	vshrl.u32 v12, $0x1  }
0x79: {  	s16 =	sadd.s32 $0x10, s16;
	v11 =	vor.u32 v14, v11;
	v12 =	vmul.u32 $0x9, v12;
	v13 =	vshrl.u32 v13, $0x1  }
0x7a: {  	v14 =	vadd.s32 s16, v3;
	v11 =	vxor.u32 v10, v11;
	v13 =	vmul.u32 $0x9, v13  }
0x7b: {  	s17 =	sshra.s32 s14, $0x2;
	s14 =	smov.u32 s15;
	v15 =	vadd.s32 s16, v0;
	v16 =	vshrl.u32 v11, $0x6;
	v9 =	vsub.s32 v9, v12  }
0x7c: {  	v17 =	vshll.u32 v11, $0x1A;
	v9 =	vshll.u32 v9, $0x2;
	v8 =	vsub.s32 v8, v13;
	v12 =	vld [tilespmem:s17+$0x0]  }
0x7d: {  	v10 =	vadd.s32 v10, v11;
	v11 =	vor.u32 v16, v17;
	v8 =	vadd.s32 v8, v9  }
0x7e: {  	v11 =	vxor.u32 v10, v11;
	v9 =	vadd.s32 s16, v5;
	v8 =	vand.u32 $0xFF, v8  }
0x7f: {  	v13 =	vshrl.u32 v11, $0x1A;
	v16 =	vshll.u32 v11, $0x6;
	v17 =	vmulhi.u32 $0x1C71C71D, v8  }
0x80: {  	v18 =	vadd.s32 s16, v4;
	v10 =	vadd.s32 v10, v11;
	v11 =	vor.u32 v13, v16  }
0x81: {  	v11 =	vxor.u32 v10, v11;
	v16 =	vmul.u32 $0x9, v17;
	v13 =	vtrunc.f32 v12  }
0x82: {  	v10 =	vadd.s32 $0x66CD0878, v10;
	v11 =	vadd.s32 $0x6D3E0494, v11;
	v13 =	vcvt.f32.s32 v13  }
0x83: {  	v10 =	vxor.u32 v10, v11;
	v17 =	vadd.s32 s16, v2;
	v8 =	vsub.s32 v8, v16  }
0x84: {  	v11 =	vadd.s32 s16, v1;
	v10 =	vshrl.u32 v10, $0x9;
	vm0 =	vge.s32 v8, v13  }
0x85: {  	v10 =	vor.u32 $0x3F800000, v10;
	v16 =	vshrl.u32 v15, $0x13;
	v19 =	vsel vm0, $0x1, v6  }
0x86: {  	v10 =	vadd.f32 $-1.000000000e+00, v10;
	v13 =	vperm.xlane v7, v13;
	v8 =	vadd.s32 v8, v19  }
0x87: {  	v15 =	vshll.u32 v15, $0xD;
	v19 =	vshrl.u32 v17, $0x13;
	v8 =	vcvt.s32.f32 v8  }
0x88: {  	v20 =	vshrl.u32 v11, $0x13;
	v17 =	vshll.u32 v17, $0xD;
	vm0 =	vgt.f32 v10, v13  }
0x89: {  	v11 =	vshll.u32 v11, $0xD;
	v10 =	vor.u32 v16, v15;
	v8 =	vsel vm0, v12, v8  }
0x8a: {  	v11 =	vor.u32 v20, v11;
	v10 =	vxor.u32 v14, v10;
	v12 =	vor.u32 v19, v17;
	[tilespmem:s17+$0x280] =	vst v8  }
0x8b: {  	v8 =	vxor.u32 v18, v11;
	v11 =	vxor.u32 v9, v12;
	v12 =	vadd.s32 v14, v10  }
0x8c: {  	v13 =	vshrl.u32 v10, $0x11;
	v10 =	vshll.u32 v10, $0xF;
	v9 =	vadd.s32 v9, v11  }
0x8d: {  	v14 =	vadd.s32 v18, v8;
	v15 =	vshrl.u32 v11, $0x11;
	v11 =	vshll.u32 v11, $0xF  }
0x8e: {  	v10 =	vor.u32 v13, v10;
	v13 =	vshrl.u32 v8, $0x11;
	v8 =	vshll.u32 v8, $0xF  }
0x8f: {  	v10 =	vxor.u32 v12, v10;
	v8 =	vor.u32 v13, v8;
	v11 =	vor.u32 v15, v11  }
0x90: {  	v8 =	vxor.u32 v14, v8;
	v11 =	vxor.u32 v9, v11;
	v12 =	vadd.s32 v12, v10  }
0x91: {  	v13 =	vshrl.u32 v10, $0x6;
	v10 =	vshll.u32 v10, $0x1A;
	v9 =	vadd.s32 v9, v11  }
0x92: {  	v14 =	vadd.s32 v14, v8;
	v15 =	vshrl.u32 v11, $0x6;
	v11 =	vshll.u32 v11, $0x1A  }
0x93: {  	v10 =	vor.u32 v13, v10;
	v13 =	vshrl.u32 v8, $0x6;
	v8 =	vshll.u32 v8, $0x1A  }
0x94: {  	v10 =	vxor.u32 v12, v10;
	v8 =	vor.u32 v13, v8;
	v11 =	vor.u32 v15, v11  }
0x95: {  	v8 =	vxor.u32 v14, v8;
	v11 =	vxor.u32 v9, v11;
	v12 =	vadd.s32 v12, v10  }
0x96: {  	v13 =	vshrl.u32 v10, $0x1A;
	v10 =	vshll.u32 v10, $0x6;
	v9 =	vadd.s32 v9, v11  }
0x97: {  	v14 =	vadd.s32 v14, v8;
	v15 =	vshrl.u32 v11, $0x1A;
	v11 =	vshll.u32 v11, $0x6  }
0x98: {  	v10 =	vor.u32 v13, v10;
	v13 =	vshrl.u32 v8, $0x1A;
	v8 =	vshll.u32 v8, $0x6  }
0x99: {  	v10 =	vxor.u32 v12, v10;
	v8 =	vor.u32 v13, v8;
	v11 =	vor.u32 v15, v11  }
0x9a: {  	v8 =	vxor.u32 v14, v8;
	v11 =	vxor.u32 v9, v11;
	v10 =	vadd.s32 $0x66CD0879, v10  }
0x9b: {  	v12 =	vadd.s32 v10, v12;
	v8 =	vadd.s32 $0xA1992F1F, v8;
	v11 =	vadd.s32 $0xD260ABC9, v11  }
0x9c: {  	v13 =	vshrl.u32 v10, $0xF;
	v10 =	vshll.u32 v10, $0x11;
	v9 =	vadd.s32 v11, v9  }
0x9d: {  	v14 =	vadd.s32 v8, v14;
	v15 =	vshrl.u32 v11, $0xF;
	v11 =	vshll.u32 v11, $0x11  }
0x9e: {  	v12 =	vadd.s32 $0x1022172D, v12;
	v16 =	vshrl.u32 v8, $0xF;
	v8 =	vshll.u32 v8, $0x11  }
0x9f: {  	v10 =	vor.u32 v13, v10;
	v9 =	vadd.s32 $0x45A3D6BE, v9;
	v11 =	vor.u32 v15, v11  }
0xa0: {  	v13 =	vadd.s32 $0x7B3B635, v14;
	v10 =	vxor.u32 v12, v10;
	v8 =	vor.u32 v16, v8  }
0xa1: {  	v8 =	vxor.u32 v13, v8;
	v11 =	vxor.u32 v9, v11;
	v12 =	vadd.s32 v12, v10  }
0xa2: {  	v14 =	vshrl.u32 v10, $0x3;
	v10 =	vshll.u32 v10, $0x1D;
	v9 =	vadd.s32 v9, v11  }
0xa3: {  	v13 =	vadd.s32 v13, v8;
	v15 =	vshrl.u32 v11, $0x3;
	v11 =	vshll.u32 v11, $0x1D  }
0xa4: {  	v10 =	vor.u32 v14, v10;
	v14 =	vshrl.u32 v8, $0x3;
	v8 =	vshll.u32 v8, $0x1D  }
0xa5: {  	v10 =	vxor.u32 v12, v10;
	v8 =	vor.u32 v14, v8;
	v11 =	vor.u32 v15, v11  }
0xa6: {  	v8 =	vxor.u32 v13, v8;
	v11 =	vxor.u32 v9, v11;
	v14 =	vadd.s32 v12, v10  }
0xa7: {  	v12 =	vshrl.u32 v10, $0x10;
	v10 =	vshll.u32 v10, $0x10;
	v15 =	vadd.s32 v9, v11  }
.Ltmp0:
0xa8: {  	v9 =	vadd.s32 v13, v8;
	v13 =	vshrl.u32 v11, $0x10;
	v11 =	vshll.u32 v11, $0x10;
	(pc) =	sbr.rel @p0 .LBB2_2-.Ltmp0, $4  }
0xa9: {  	v10 =	vor.u32 v12, v10;
	v12 =	vshrl.u32 v8, $0x10;
	v8 =	vshll.u32 v8, $0x10  }
0xaa: {  	v16 =	vxor.u32 v14, v10;
	v8 =	vor.u32 v12, v8;
	v10 =	vor.u32 v13, v11  }
0xab: {  	v11 =	vxor.u32 v9, v8;
	v12 =	vxor.u32 v15, v10;
	v10 =	vadd.s32 v14, v16  }
0xac: {  	s15 =	sadd.s32 $0x40, s15;
	v13 =	vshrl.u32 v16, $0x8;
	v14 =	vshll.u32 v16, $0x18;
	v8 =	vadd.s32 v15, v12  }
0xad: {  	v9 =	vadd.s32 v9, v11;
	v15 =	vshrl.u32 v12, $0x8;
	v54 =	vshll.u32 v12, $0x18  }
0xae: {  	v13 =	vor.u32 v13, v14;
	v55 =	vshrl.u32 v11, $0x8;
	v56 =	vshll.u32 v11, $0x18  }
0xaf: {  	v13 =	vxor.u32 v10, v13;
	v11 =	vor.u32 v55, v56;
	v12 =	vor.u32 v15, v54  }
0xb0: {  	v11 =	vxor.u32 v9, v11;
	v12 =	vxor.u32 v8, v12;
	v13 =	vadd.s32 $0x6D3E0491, v13  }
0xb1: {  	v57 =	vadd.s32 v13, v10;
	v11 =	vadd.s32 $0xBDFB82F3, v11;
	v12 =	vadd.s32 $0x8C1266AE, v12  }
0xb2: {  	v58 =	vshrl.u32 v13, $0x13;
	v13 =	vshll.u32 v13, $0xD;
	v8 =	vadd.s32 v12, v8  }
0xb3: {  	v9 =	vadd.s32 v11, v9;
	v59 =	vshrl.u32 v12, $0x13;
	v12 =	vshll.u32 v12, $0xD  }
0xb4: {  	v10 =	vadd.s32 $0x66CD0878, v57;
	v16 =	vshrl.u32 v11, $0x13;
	v11 =	vshll.u32 v11, $0xD  }
0xb5: {  	v13 =	vor.u32 v58, v13;
	v8 =	vadd.s32 $0xD260ABC8, v8;
	v12 =	vor.u32 v59, v12  }
0xb6: {  	v9 =	vadd.s32 $0xA1992F1E, v9;
	v13 =	vxor.u32 v10, v13;
	v11 =	vor.u32 v16, v11  }
0xb7: {  	v11 =	vxor.u32 v9, v11;
	v12 =	vxor.u32 v8, v12;
	v10 =	vadd.s32 v10, v13  }
0xb8: {  	v60 =	vshrl.u32 v13, $0x11;
	v13 =	vshll.u32 v13, $0xF;
	v8 =	vadd.s32 v8, v12  }
0xb9: {  	v9 =	vadd.s32 v9, v11;
	v61 =	vshrl.u32 v12, $0x11;
	v12 =	vshll.u32 v12, $0xF  }
0xba: {  	v13 =	vor.u32 v60, v13;
	v62 =	vshrl.u32 v11, $0x11;
	v11 =	vshll.u32 v11, $0xF  }
0xbb: {  	v13 =	vxor.u32 v10, v13;
	v11 =	vor.u32 v62, v11;
	v12 =	vor.u32 v61, v12  }
0xbc: {  	v11 =	vxor.u32 v9, v11;
	v12 =	vxor.u32 v8, v12;
	v10 =	vadd.s32 v10, v13  }
0xbd: {  	v63 =	vshrl.u32 v13, $0x6;
	v13 =	vshll.u32 v13, $0x1A;
	v8 =	vadd.s32 v8, v12  }
0xbe: {  	v9 =	vadd.s32 v9, v11;
	v18 =	vshrl.u32 v12, $0x6;
	v12 =	vshll.u32 v12, $0x1A  }
0xbf: {  	v13 =	vor.u32 v63, v13;
	v19 =	vshrl.u32 v11, $0x6;
	v11 =	vshll.u32 v11, $0x1A  }
0xc0: {  	v13 =	vxor.u32 v10, v13;
	v11 =	vor.u32 v19, v11;
	v12 =	vor.u32 v18, v12  }
0xc1: {  	v11 =	vxor.u32 v9, v11;
	v12 =	vxor.u32 v8, v12;
	v10 =	vadd.s32 v10, v13  }
0xc2: {  	v20 =	vshrl.u32 v13, $0x1A;
	v13 =	vshll.u32 v13, $0x6;
	v8 =	vadd.s32 v8, v12  }
0xc3: {  	v9 =	vadd.s32 v9, v11;
	v21 =	vshrl.u32 v12, $0x1A;
	v12 =	vshll.u32 v12, $0x6  }
0xc4: {  	v13 =	vor.u32 v20, v13;
	v22 =	vshrl.u32 v11, $0x1A;
	v11 =	vshll.u32 v11, $0x6  }
0xc5: {  	v13 =	vxor.u32 v10, v13;
	v11 =	vor.u32 v22, v11;
	v12 =	vor.u32 v21, v12  }
0xc6: {  	v11 =	vxor.u32 v9, v11;
	v12 =	vxor.u32 v8, v12;
	v13 =	vadd.s32 $0x10221730, v13  }
0xc7: {  	v10 =	vadd.s32 v13, v10;
	v11 =	vadd.s32 $0x7B3B638, v11;
	v12 =	vadd.s32 $0x45A3D6C1, v12  }
0xc8: {  	v23 =	vshrl.u32 v13, $0xF;
	v13 =	vshll.u32 v13, $0x11;
	v8 =	vadd.s32 v12, v8  }
0xc9: {  	v9 =	vadd.s32 v11, v9;
	v24 =	vshrl.u32 v12, $0xF;
	v12 =	vshll.u32 v12, $0x11  }
0xca: {  	v10 =	vadd.s32 $0x6D3E048F, v10;
	v25 =	vshrl.u32 v11, $0xF;
	v11 =	vshll.u32 v11, $0x11  }
0xcb: {  	v13 =	vor.u32 v23, v13;
	v8 =	vadd.s32 $0x8C1266AC, v8;
	v12 =	vor.u32 v24, v12  }
0xcc: {  	v9 =	vadd.s32 $0xBDFB82F1, v9;
	v13 =	vxor.u32 v10, v13;
	v11 =	vor.u32 v25, v11  }
0xcd: {  	v11 =	vxor.u32 v9, v11;
	v12 =	vxor.u32 v8, v12;
	v10 =	vadd.s32 v10, v13  }
0xce: {  	v26 =	vshrl.u32 v13, $0x3;
	v13 =	vshll.u32 v13, $0x1D;
	v8 =	vadd.s32 v8, v12  }
0xcf: {  	v9 =	vadd.s32 v9, v11;
	v27 =	vshrl.u32 v12, $0x3;
	v12 =	vshll.u32 v12, $0x1D  }
0xd0: {  	v13 =	vor.u32 v26, v13;
	v28 =	vshrl.u32 v11, $0x3;
	v11 =	vshll.u32 v11, $0x1D  }
0xd1: {  	v13 =	vxor.u32 v10, v13;
	v11 =	vor.u32 v28, v11;
	v12 =	vor.u32 v27, v12  }
0xd2: {  	v11 =	vxor.u32 v9, v11;
	v12 =	vxor.u32 v8, v12;
	v10 =	vadd.s32 v10, v13  }
0xd3: {  	v29 =	vshrl.u32 v13, $0x10;
	v13 =	vshll.u32 v13, $0x10;
	v8 =	vadd.s32 v8, v12  }
0xd4: {  	v9 =	vadd.s32 v9, v11;
	v30 =	vshrl.u32 v12, $0x10;
	v12 =	vshll.u32 v12, $0x10  }
0xd5: {  	v13 =	vor.u32 v29, v13;
	v31 =	vshrl.u32 v11, $0x10;
	v11 =	vshll.u32 v11, $0x10  }
0xd6: {  	v13 =	vxor.u32 v10, v13;
	v11 =	vor.u32 v31, v11;
	v12 =	vor.u32 v30, v12  }
0xd7: {  	v11 =	vxor.u32 v9, v11;
	v12 =	vxor.u32 v8, v12;
	v10 =	vadd.s32 v10, v13  }
0xd8: {  	v32 =	vshrl.u32 v13, $0x8;
	v13 =	vshll.u32 v13, $0x18;
	v8 =	vadd.s32 v8, v12  }
0xd9: {  	v9 =	vadd.s32 v9, v11;
	v33 =	vshrl.u32 v12, $0x8;
	v12 =	vshll.u32 v12, $0x18  }
0xda: {  	v13 =	vor.u32 v32, v13;
	v34 =	vshrl.u32 v11, $0x8;
	v11 =	vshll.u32 v11, $0x18  }
0xdb: {  	v13 =	vxor.u32 v10, v13;
	v11 =	vor.u32 v34, v11;
	v12 =	vor.u32 v33, v12  }
0xdc: {  	v11 =	vxor.u32 v9, v11;
	v12 =	vxor.u32 v8, v12;
	v13 =	vadd.s32 $0x66CD087C, v13  }
0xdd: {  	v10 =	vadd.s32 v13, v10;
	v11 =	vadd.s32 $0xA1992F22, v11;
	v12 =	vadd.s32 $0xD260ABCC, v12  }
0xde: {  	v35 =	vshrl.u32 v13, $0x13;
	v13 =	vshll.u32 v13, $0xD;
	v8 =	vadd.s32 v12, v8  }
0xdf: {  	v9 =	vadd.s32 v11, v9;
	v36 =	vshrl.u32 v12, $0x13;
	v12 =	vshll.u32 v12, $0xD  }
0xe0: {  	v37 =	vshrl.u32 v11, $0x13;
	v11 =	vshll.u32 v11, $0xD;
	v8 =	vadd.s32 $0x45A3D6BE, v8  }
0xe1: {  	v9 =	vadd.s32 $0x7B3B635, v9;
	v11 =	vor.u32 v37, v11;
	v12 =	vor.u32 v36, v12  }
0xe2: {  	v10 =	vadd.s32 $0x1022172D, v10;
	v11 =	vxor.u32 v9, v11;
	v12 =	vxor.u32 v8, v12  }
0xe3: {  	v8 =	vadd.s32 v8, v12;
	v38 =	vshrl.u32 v12, $0x11;
	v12 =	vshll.u32 v12, $0xF  }
0xe4: {  	v39 =	vshrl.u32 v11, $0x11;
	v17 =	vshll.u32 v11, $0xF;
	v12 =	vor.u32 v38, v12  }
0xe5: {  	v9 =	vadd.s32 v9, v11;
	v40 =	vor.u32 v39, v17;
	v12 =	vxor.u32 v8, v12  }
0xe6: {  	v11 =	vxor.u32 v9, v40;
	v8 =	vadd.s32 v8, v12;
	v41 =	vshrl.u32 v12, $0x6  }
0xe7: {  	v42 =	vshrl.u32 v11, $0x6;
	v43 =	vshll.u32 v11, $0x1A;
	v12 =	vshll.u32 v12, $0x1A  }
0xe8: {  	v9 =	vadd.s32 v9, v11;
	v44 =	vor.u32 v42, v43;
	v12 =	vor.u32 v41, v12  }
0xe9: {  	v13 =	vor.u32 v35, v13;
	v11 =	vxor.u32 v9, v44;
	v12 =	vxor.u32 v8, v12  }
0xea: {  	v9 =	vadd.s32 v9, v11;
	v45 =	vshrl.u32 v11, $0x1A;
	v11 =	vshll.u32 v11, $0x6  }
0xeb: {  	v46 =	vshrl.u32 v12, $0x1A;
	v47 =	vshll.u32 v12, $0x6;
	v11 =	vor.u32 v45, v11  }
0xec: {  	v8 =	vadd.s32 v8, v12;
	v48 =	vor.u32 v46, v47;
	v11 =	vxor.u32 v9, v11  }
0xed: {  	v12 =	vxor.u32 v8, v48;
	v9 =	vadd.s32 $0xA1992F1E, v9;
	v11 =	vadd.s32 $0xBDFB82F6, v11  }
0xee: {  	v8 =	vadd.s32 $0xD260ABC8, v8;
	v12 =	vadd.s32 $0x8C1266B1, v12;
	v9 =	vxor.u32 v9, v11  }
0xef: {  	v49 =	vxor.u32 v10, v13;
	v8 =	vxor.u32 v8, v12;
	v50 =	vmulhi.u32 $0x38E38E39, v9  }
0xf0: {  	v10 =	vadd.s32 v10, v49;
	v51 =	vmulhi.u32 $0x38E38E39, v8  }
0xf1: {  	v52 =	vshrl.u32 v49, $0x11;
	v11 =	vshll.u32 v49, $0xF;
	v12 =	vshrl.u32 v50, $0x1  }
0xf2: {  	v11 =	vor.u32 v52, v11;
	v13 =	vshrl.u32 v51, $0x1;
	v12 =	vmul.u32 $0x9, v12  }
0xf3: {  	v11 =	vxor.u32 v10, v11;
	v13 =	vmul.u32 $0x9, v13  }
0xf4: {  	s14 =	sshra.s32 s14, $0x2;
	v53 =	vshrl.u32 v11, $0x6;
	v9 =	vsub.s32 v9, v12  }
0xf5: {  	v54 =	vld [tilespmem:s14+$0x0];
	v55 =	vshll.u32 v11, $0x1A;
	v8 =	vsub.s32 v8, v13;
	v9 =	vshll.u32 v9, $0x2  }
0xf6: {  	v10 =	vadd.s32 v10, v11;
	v56 =	vor.u32 v53, v55;
	v8 =	vadd.s32 v8, v9  }
0xf7: {  	v57 =	vxor.u32 v10, v56;
	v8 =	vand.u32 $0xFF, v8  }
0xf8: {  	v11 =	vshrl.u32 v57, $0x1A;
	v58 =	vshll.u32 v57, $0x6;
	v59 =	vmulhi.u32 $0x1C71C71D, v8  }
0xf9: {  	v60 =	vor.u32 v11, v58;
	v9 =	vadd.s32 v10, v57  }
0xfa: {  	v61 =	vtrunc.f32 v54;
	v10 =	vxor.u32 v9, v60;
	v62 =	vmul.u32 $0x9, v59  }
0xfb: {  	v11 =	vcvt.f32.s32 v61;
	v9 =	vadd.s32 $0x66CD0878, v9;
	v10 =	vadd.s32 $0x6D3E0494, v10  }
0xfc: {  	v9 =	vxor.u32 v9, v10;
	v8 =	vsub.s32 v8, v62  }
0xfd: {  	v9 =	vshrl.u32 v9, $0x9;
	vm0 =	vge.s32 v8, v11  }
0xfe: {  	v9 =	vor.u32 $0x3F800000, v9;
	v63 =	vsel vm0, $0x1, v6  }
0xff: {  	v7 =	vperm.xlane v7, v11;
	v9 =	vadd.f32 $-1.000000000e+00, v9;
	v8 =	vadd.s32 v8, v63  }
0x100: {  	v8 =	vcvt.s32.f32 v8  }
0x101: {  	s13 =	sadd.s32 $0x1, s13;
	vm15 =	vgt.f32 v9, v7  }
0x102: {  	p0 =	sne.s32 s13, s8;
	v7 =	vsel vm15, v54, v8  }
.Ltmp1:
0x103: {  	[tilespmem:s14+$0x280] =	vst v7;
	(pc) =	sbr.rel @p0 .LBB2_1-.Ltmp1, $4  }
0x104: {  	[hbm4b:s6+s3] =	stream.linear.scatter [tilespmem:s11], [sflag:$0x3], $0x200, $0x38;
	[tilespmem:$0x480] =	vst v63  }
0x105: {  	_ =	swait.ge [sflag:s12], $0x200  }
0x106: {  	[sflag:s12] =	ssyncset.done $0x0  }
0x107: {  	[sflag:s12] =	ssyncadd.s32 $0xFFFFFE00  }
0x108: {  	_ =	sfence.sel $0x180000  }
0x109: {  	[bflag:$0x0] =	sbarrier.arrive $0xFFFF  }
0x10a: {  	p0 =	sne.s32 s2, $0x0;
	_ =	strace $0x90000047  }
0x10b: {  	s0 =	sadd.s32 @!p0 $0x100000, s0;
	[bflag:$0x2] =	sbarrier.arrive $0xFFFF  }
0x10c: {  	[sflag:s0] =	ssyncadd.tile.s32 @!p0 $0x1;
	_ =	shalt  }
.Lfunc_end2:
_tile_overlayer_lowered:
.L_overlay_start_2:
0x10d: {  	(tag) =	ssettag $0x2  }
0x10e: {  	s0 =	rddreg [dreg:$0x0];
	s2 =	stileid.u32  }
0x10f: {  	s1 =	rddreg [dreg:$0x1];
	p0 =	sne.s32 s2, $0x0  }
0x110: {  	s3 =	rddreg [dreg:$0x2];
	[bflag:$0x3] =	sbarrier.arrive $0xFFFF;
	s2 =	simm.s32 @!p0 $0x1C03  }
0x111: {  	[timem:s3], [sflag:s2] =	dma.local @!p0 [hbm:s0], s1  }
0x112: {  	s0 =	simm.s32 @!p0 $0x3  }
0x113: {  	_ =	swait.ge @!p0 [sflag:s0], s1  }
0x114: {  	s1 =	ssub.s32 @!p0 $0x0, s1;
	[sflag:s0] =	ssyncset.done @!p0 $0x0  }
0x115: {  	[sflag:s0] =	ssyncadd.s32 @!p0 s1  }
0x116: {  	[bflag:$0x3] =	sbarrier.arrive $0xFFFF  }
0x117: {  	_ =	shalt  }

</sc_bundles>
